<compile_context>
chip_gen: v7x
topology: tpu7x:2x2x1
jax: 0.10.2.dev20260603
libtpu: 0.0.44.dev20260713+nightly
codegen_flags: <defaults>
</compile_context>

<pallas_src>
import jax
import jax.numpy as jnp
from jax import lax
from jax.experimental import pallas as pl
from jax.experimental.pallas import tpu as pltpu
from jax.experimental.pallas import tpu_sc as plsc

N = 10000
E = 160000
D = 256
DH = D // 2
EPS = 1e-5

NS = 16
L = 16
KC = 64
EC = 163840
EROWS = EC // KC
CH2 = EC // NS // KC
CHA = EC // 2 // NS // KC
NP = 10240
RPT = NP // NS
KR = 64
RCH = RPT // KR
NA = N + L

_mesh = plsc.VectorSubcoreMesh(core_axis_name="c", subcore_axis_name="s")


def _deg_body(dst2_hbm, rid_hbm, ones_hbm, zer_hbm, out0_hbm, out1_hbm,
              idxb_v, ridx_v, ones_v, zbuf_v, hist_sh):
    cid = lax.axis_index("c")
    sid = lax.axis_index("s")

    def run(out_hbm):
        pltpu.sync_copy(ones_hbm, ones_v)
        pltpu.sync_copy(zer_hbm, zbuf_v)
        pltpu.sync_copy(
            dst2_hbm.at[pl.ds(cid * (NS * CHA) + sid * CHA, CHA)], idxb_v)

        @pl.loop(0, RCH)
        def _(j):
            off = pl.multiple_of(sid * RPT + j * KR, 8)
            pltpu.sync_copy(rid_hbm.at[pl.ds(off, KR)], ridx_v)
            pltpu.sync_copy(zbuf_v, hist_sh.at[ridx_v])

        plsc.subcore_barrier()

        @pl.loop(0, CHA)
        def _(s):
            pltpu.sync_copy(ones_v, hist_sh.at[idxb_v.at[s]], add=True)

        plsc.subcore_barrier()

        @pl.loop(0, RCH)
        def _(j):
            off = pl.multiple_of(sid * RPT + j * KR, 8)
            pltpu.sync_copy(rid_hbm.at[pl.ds(off, KR)], ridx_v)
            pltpu.sync_copy(hist_sh.at[ridx_v], zbuf_v)
            pltpu.sync_copy(zbuf_v, out_hbm.at[pl.ds(off, KR)])

    @pl.when(cid == 0)
    def _():
        run(out0_hbm)

    @pl.when(cid == 1)
    def _():
        run(out1_hbm)


_deg_call = pl.kernel(
    _deg_body,
    out_type=[jax.ShapeDtypeStruct((NP, DH), jnp.float32),
              jax.ShapeDtypeStruct((NP, DH), jnp.float32)],
    mesh=_mesh,
    scratch_types=[
        pltpu.VMEM((CHA, KC), jnp.int32),
        pltpu.VMEM((KR,), jnp.int32),
        pltpu.VMEM((KC, DH), jnp.float32),
        pltpu.VMEM((KR, DH), jnp.float32),
        pltpu.VMEM_SHARED((NA, DH), jnp.float32),
    ],
)


def _seg_body(gl_hbm, gr_hbm, src2_hbm, dst2_hbm, rid_hbm, zer_hbm,
              outl_hbm, outr_hbm,
              dstb_v, sidx_a, sidx_b, ridx_v, rows_a, rows_b,
              acc_sh, semg_a, semg_b, semi_a, semi_b):
    cid = lax.axis_index("c")
    sid = lax.axis_index("s")
    tbase = sid * CH2

    def run(g_hbm, out_hbm):
        pltpu.sync_copy(zer_hbm, rows_a)
        pltpu.sync_copy(dst2_hbm.at[pl.ds(tbase, CH2)], dstb_v)

        @pl.loop(0, RCH)
        def _(j):
            off = pl.multiple_of(sid * RPT + j * KR, 8)
            pltpu.sync_copy(rid_hbm.at[pl.ds(off, KR)], ridx_v)
            pltpu.sync_copy(rows_a, acc_sh.at[ridx_v])

        plsc.subcore_barrier()

        pltpu.sync_copy(src2_hbm.at[tbase], sidx_a)
        pltpu.async_copy(g_hbm.at[sidx_a], rows_a, semg_a)
        pltpu.async_copy(src2_hbm.at[tbase + 1], sidx_b, semi_b)

        def _wait_g(rows, sem):
            pltpu.make_async_copy(g_hbm.at[pl.ds(0, KC)], rows, sem).wait()

        def _wait_i(sidx, sem):
            pltpu.make_async_copy(src2_hbm.at[0], sidx, sem).wait()

        @pl.loop(0, CH2 // 2)
        def _(s):
            a = s * 2
            _wait_g(rows_a, semg_a)
            nxt_a = jnp.where(a + 2 < CH2, tbase + a + 2, tbase)
            pltpu.async_copy(src2_hbm.at[nxt_a], sidx_a, semi_a)
            _wait_i(sidx_b, semi_b)
            pltpu.async_copy(g_hbm.at[sidx_b], rows_b, semg_b)
            pltpu.sync_copy(rows_a, acc_sh.at[dstb_v.at[a]], add=True)
            _wait_i(sidx_a, semi_a)
            pltpu.async_copy(g_hbm.at[sidx_a], rows_a, semg_a)
            _wait_g(rows_b, semg_b)
            pltpu.sync_copy(rows_b, acc_sh.at[dstb_v.at[a + 1]], add=True)
            nxt_b = jnp.where(a + 3 < CH2, tbase + a + 3, tbase)
            pltpu.async_copy(src2_hbm.at[nxt_b], sidx_b, semi_b)

        _wait_g(rows_a, semg_a)
        _wait_i(sidx_b, semi_b)

        plsc.subcore_barrier()

        @pl.loop(0, RCH)
        def _(j):
            off = pl.multiple_of(sid * RPT + j * KR, 8)
            pltpu.sync_copy(rid_hbm.at[pl.ds(off, KR)], ridx_v)
            pltpu.sync_copy(acc_sh.at[ridx_v], rows_b)
            pltpu.sync_copy(rows_b, out_hbm.at[pl.ds(off, KR)])

    @pl.when(cid == 0)
    def _():
        run(gl_hbm, outl_hbm)

    @pl.when(cid == 1)
    def _():
        run(gr_hbm, outr_hbm)


_seg_call = pl.kernel(
    _seg_body,
    out_type=[jax.ShapeDtypeStruct((NP, DH), jnp.float32),
              jax.ShapeDtypeStruct((NP, DH), jnp.float32)],
    mesh=_mesh,
    scratch_types=[
        pltpu.VMEM((CH2, KC), jnp.int32),
        pltpu.VMEM((KC,), jnp.int32),
        pltpu.VMEM((KC,), jnp.int32),
        pltpu.VMEM((KR,), jnp.int32),
        pltpu.VMEM((KC, DH), jnp.float32),
        pltpu.VMEM((KC, DH), jnp.float32),
        pltpu.VMEM_SHARED((NA, DH), jnp.float32),
        pltpu.SemaphoreType.DMA,
        pltpu.SemaphoreType.DMA,
        pltpu.SemaphoreType.DMA,
        pltpu.SemaphoreType.DMA,
    ],
)


BN = 1000


def _mm_body(x_ref, w_ref, h_ref):
    h_ref[...] = jnp.dot(x_ref[...], w_ref[...],
                         preferred_element_type=jnp.float32,
                         precision=lax.Precision.HIGHEST)


def _mm_call(x, W):
    return pl.pallas_call(
        _mm_body,
        grid=(N // BN,),
        in_specs=[pl.BlockSpec((BN, D), lambda i: (i, 0)),
                  pl.BlockSpec((D, D), lambda i: (0, 0))],
        out_specs=pl.BlockSpec((BN, D), lambda i: (i, 0)),
        out_shape=jax.ShapeDtypeStruct((N, D), jnp.float32),
    )(x, W)


def _scale_body(h_ref, d0_ref, d1_ref, gl_ref, gr_ref, dinv_ref):
    dinv = lax.rsqrt(d0_ref[...] + d1_ref[...] + 1.0)
    g = h_ref[...] * dinv
    gl_ref[...] = g[:, :DH]
    gr_ref[...] = g[:, DH:]
    dinv_ref[...] = dinv


def _scale_call(h, d0, d1):
    col = pl.BlockSpec((BN, 1), lambda i: (i, 0))
    return pl.pallas_call(
        _scale_body,
        grid=(N // BN,),
        in_specs=[pl.BlockSpec((BN, D), lambda i: (i, 0)), col, col],
        out_specs=[pl.BlockSpec((BN, DH), lambda i: (i, 0)),
                   pl.BlockSpec((BN, DH), lambda i: (i, 0)),
                   col],
        out_shape=[jax.ShapeDtypeStruct((N, DH), jnp.float32),
                   jax.ShapeDtypeStruct((N, DH), jnp.float32),
                   jax.ShapeDtypeStruct((N, 1), jnp.float32)],
    )(h, d0, d1)


def _ep_body(sl_ref, sr_ref, gl_ref, gr_ref, dinv_ref, x_ref,
             b_ref, gam_ref, bet_ref, o_ref):
    s = jnp.concatenate([sl_ref[...] + gl_ref[...],
                         sr_ref[...] + gr_ref[...]], axis=1)
    agg = s * dinv_ref[...] + b_ref[...]
    mu = jnp.mean(agg, axis=1, keepdims=True)
    dlt = agg - mu
    var = jnp.mean(dlt * dlt, axis=1, keepdims=True)
    hn = dlt * lax.rsqrt(var + EPS) * gam_ref[...] + bet_ref[...]
    o_ref[...] = jnp.maximum(hn, 0.0) + x_ref[...]


def _ep_call(sl, sr, gl, gr, dinv, x, b, gam, bet):
    half = pl.BlockSpec((BN, DH), lambda i: (i, 0))
    vec = pl.BlockSpec((1, D), lambda i: (0, 0))
    return pl.pallas_call(
        _ep_body,
        grid=(N // BN,),
        in_specs=[half, half, half, half,
                  pl.BlockSpec((BN, 1), lambda i: (i, 0)),
                  pl.BlockSpec((BN, D), lambda i: (i, 0)),
                  vec, vec, vec],
        out_specs=pl.BlockSpec((BN, D), lambda i: (i, 0)),
        out_shape=jax.ShapeDtypeStruct((N, D), jnp.float32),
    )(sl, sr, gl, gr, dinv, x, b, gam, bet)


def kernel(x, edge_index, W, b, ln_gamma, ln_beta):
    src = edge_index[0]
    dst = edge_index[1]
    npad = EC - E
    pad_i = jnp.arange(npad, dtype=jnp.int32)
    src2 = jnp.concatenate([src, (pad_i * 8) % N]).reshape(EROWS, KC)
    dst2 = jnp.concatenate([dst, N + (pad_i % L)]).reshape(EROWS, KC)
    rid = jnp.concatenate([jnp.arange(N, dtype=jnp.int32),
                           N + (jnp.arange(NP - N, dtype=jnp.int32) % L)])
    ones128 = jnp.ones((KC, DH), jnp.float32)
    zer128 = jnp.zeros((KR, DH), jnp.float32)
    h0, h1 = _deg_call(dst2, rid, ones128, zer128)
    d0, d1 = h0[:N, 0:1], h1[:N, 0:1]
    h = _mm_call(x, W)
    gl, gr, dinv = _scale_call(h, d0, d1)
    slp, srp = _seg_call(gl, gr, src2, dst2, rid, zer128)
    return _ep_call(slp[:N], srp[:N], gl, gr, dinv, x,
                    b.reshape(1, D), ln_gamma.reshape(1, D),
                    ln_beta.reshape(1, D))

# --- scband reference (transcript-rebuilt; emitter-appended) ---
"""Pipeline reference for scband-gnnblock-6983616823350 (READ-ONLY COPY).

The authoritative reference and input builder live on the scoring server;
editing this copy changes nothing except your own understanding.
"""

import jax, jax.numpy as jnp
import numpy as np

N = 10000
E = 160000
D = 256
EPS = 1e-5

def setup_inputs(seed: int = 0) -> dict:
    key = jax.random.key(seed)
    k1, k2, k3, k4, k5, k6 = jax.random.split(key, 6)
    x = jax.random.normal(k1, (N, D), dtype=jnp.float32)
    edge_index = jax.random.randint(k2, (2, E), 0, N, dtype=jnp.int32)
    # GCNConv parameters (glorot-style init for W, zeros bias)
    W = jax.random.normal(k3, (D, D), dtype=jnp.float32) * (1.0 / np.sqrt(D))
    b = jnp.zeros((D,), dtype=jnp.float32)
    # LayerNorm parameters
    ln_gamma = jnp.ones((D,), dtype=jnp.float32)
    ln_beta = jnp.zeros((D,), dtype=jnp.float32)
    return {"x": x, "edge_index": edge_index, "W": W, "b": b, "ln_gamma": ln_gamma, "ln_beta": ln_beta}

def reference(x, edge_index, W, b, ln_gamma, ln_beta):
    pre = x
    src = edge_index[0]
    dst = edge_index[1]
    # GCNConv: add self loops + symmetric normalization
    loop = jnp.arange(N, dtype=edge_index.dtype)
    src_f = jnp.concatenate([src, loop])
    dst_f = jnp.concatenate([dst, loop])
    deg = jnp.zeros((N,), dtype=jnp.float32).at[dst_f].add(1.0)
    dinv = jnp.where(deg > 0, 1.0 / jnp.sqrt(deg), 0.0)
    norm = dinv[src_f] * dinv[dst_f]
    h = x @ W
    msg = h[src_f] * norm[:, None]
    agg = jax.ops.segment_sum(msg, dst_f, num_segments=N) + b
    # LayerNorm
    mu = jnp.mean(agg, axis=-1, keepdims=True)
    var = jnp.var(agg, axis=-1, keepdims=True)
    hn = (agg - mu) / jnp.sqrt(var + EPS) * ln_gamma + ln_beta
    # Dropout p=0.0 -> identity (eval semantics)
    # act = ReLU
    h_act = jax.nn.relu(hn)
    # residual (shapes match: out_c == d_feat)
    out = h_act + pre
    return out

if __name__ == "__main__":
    import jax
    _d = setup_inputs()
    print(jax.jit(kernel)(*tuple(_d.values())))

</pallas_src>

<mosaic_0001>
#map = affine_map<(d0, d1) -> (0, 0)>
#map1 = affine_map<(d0, d1) -> (0)>
module attributes {stable_mosaic.version = 14 : i64} {
  func.func @_deg_body(%arg0: i32, %arg1: i32, %arg2: memref<2560x64xi32, #tpu.memory_space<hbm>>, %arg3: memref<10240xi32, #tpu.memory_space<hbm>>, %arg4: memref<64x128xf32, #tpu.memory_space<hbm>>, %arg5: memref<64x128xf32, #tpu.memory_space<hbm>>, %arg6: memref<10240x128xf32, #tpu.memory_space<hbm>>, %arg7: memref<10240x128xf32, #tpu.memory_space<hbm>>, %arg8: memref<80x64xi32, #tpu.memory_space<vmem>>, %arg9: memref<64xi32, #tpu.memory_space<vmem>>, %arg10: memref<64x128xf32, #tpu.memory_space<vmem>>, %arg11: memref<64x128xf32, #tpu.memory_space<vmem>>, %arg12: memref<10016x128xf32, #tpu.memory_space<vmem_shared>>) attributes {dimension_semantics = [#tpu.dimension_semantics<core_parallel>, #tpu.dimension_semantics<subcore_parallel>], iteration_bounds = array<i64: 2, 16>, scalar_prefetch = 0 : i64, scratch_operands = 5 : i64, tpu.core_type = #tpu.core_type<sc_vector_subcore>, window_params = [{transform_indices = #map}, {transform_indices = #map1}, {transform_indices = #map}, {transform_indices = #map}, {transform_indices = #map}, {transform_indices = #map}]} {
    %eq3A = arith.constant 0 : i32
    %eq3A_0 = arith.cmpi eq, %arg0, %eq3A : i32
    %convert_element_type3A = arith.extui %eq3A_0 : i1 to i32
    %cond3A = arith.constant 0 : i32
    %cond3A_1 = arith.cmpi ne, %convert_element_type3A, %cond3A : i32
    scf.if %cond3A_1 {
      "tpu.region"() ({
        %run_scoped3A = tpu.sem_alloc : memref<!tpu.dma_semaphore, #tpu.memory_space<semaphore_mem>>
        tpu.enqueue_dma source(%arg4 : memref<64x128xf32, #tpu.memory_space<hbm>>) target(%arg10 : memref<64x128xf32, #tpu.memory_space<vmem>>) target_semaphore(%run_scoped3A : memref<!tpu.dma_semaphore, #tpu.memory_space<semaphore_mem>>)
        tpu.wait_dma2 semaphore(%run_scoped3A : memref<!tpu.dma_semaphore, #tpu.memory_space<semaphore_mem>>) src(%arg4 : memref<64x128xf32, #tpu.memory_space<hbm>>) dst(%arg10 : memref<64x128xf32, #tpu.memory_space<vmem>>)
        tpu.yield
      }) : () -> ()
      "tpu.region"() ({
        %run_scoped3A = tpu.sem_alloc : memref<!tpu.dma_semaphore, #tpu.memory_space<semaphore_mem>>
        tpu.enqueue_dma source(%arg5 : memref<64x128xf32, #tpu.memory_space<hbm>>) target(%arg11 : memref<64x128xf32, #tpu.memory_space<vmem>>) target_semaphore(%run_scoped3A : memref<!tpu.dma_semaphore, #tpu.memory_space<semaphore_mem>>)
        tpu.wait_dma2 semaphore(%run_scoped3A : memref<!tpu.dma_semaphore, #tpu.memory_space<semaphore_mem>>) src(%arg5 : memref<64x128xf32, #tpu.memory_space<hbm>>) dst(%arg11 : memref<64x128xf32, #tpu.memory_space<vmem>>)
        tpu.yield
      }) : () -> ()
      %mul3A = arith.constant 1280 : i32
      %mul3A_7 = arith.muli %arg0, %mul3A : i32
      %mul3A_8 = arith.constant 80 : i32
      %mul3A_9 = arith.muli %arg1, %mul3A_8 : i32
      %add3A = arith.addi %mul3A_7, %mul3A_9 : i32
      "tpu.region"() ({
        %run_scoped3A = tpu.sem_alloc : memref<!tpu.dma_semaphore, #tpu.memory_space<semaphore_mem>>
        %dma_start3A = arith.constant 0 : i32
        %dma_start3A_25 = tpu.memref_slice %arg2[%add3A, %dma_start3A] : memref<2560x64xi32, #tpu.memory_space<hbm>> -> memref<80x64xi32, #tpu.memory_space<hbm>>
        %dma_start3A_26 = arith.constant 0 : i32
        %dma_start3A_27 = tpu.memref_slice %arg2[%add3A, %dma_start3A_26] : memref<2560x64xi32, #tpu.memory_space<hbm>> -> memref<80x64xi32, #tpu.memory_space<hbm>>
        tpu.enqueue_dma source(%dma_start3A_27 : memref<80x64xi32, #tpu.memory_space<hbm>>) target(%arg8 : memref<80x64xi32, #tpu.memory_space<vmem>>) target_semaphore(%run_scoped3A : memref<!tpu.dma_semaphore, #tpu.memory_space<semaphore_mem>>)
        %dma_wait3A = arith.constant 0 : i32
        %dma_wait3A_28 = tpu.memref_slice %arg2[%add3A, %dma_wait3A] : memref<2560x64xi32, #tpu.memory_space<hbm>> -> memref<80x64xi32, #tpu.memory_space<hbm>>
        %dma_wait3A_29 = arith.constant 0 : i32
        %dma_wait3A_30 = tpu.memref_slice %arg2[%add3A, %dma_wait3A_29] : memref<2560x64xi32, #tpu.memory_space<hbm>> -> memref<80x64xi32, #tpu.memory_space<hbm>>
        tpu.wait_dma2 semaphore(%run_scoped3A : memref<!tpu.dma_semaphore, #tpu.memory_space<semaphore_mem>>) src(%dma_wait3A_30 : memref<80x64xi32, #tpu.memory_space<hbm>>) dst(%arg8 : memref<80x64xi32, #tpu.memory_space<vmem>>)
        tpu.yield
      }) : () -> ()
      %scan3A = arith.constant 0 : i32
      %scan3A_10 = arith.constant 10 : i32
      %scan3A_11 = arith.addi %scan3A, %scan3A_10 : i32
      %scan3A_12 = arith.constant 1 : i32
      scf.for %scan3A_25 = %scan3A to %scan3A_11 step %scan3A_12  : i32 {
        %mul3A_26 = arith.constant 1 : i32
        %mul3A_27 = arith.muli %scan3A_25, %mul3A_26 : i32
        %add3A_28 = arith.constant 0 : i32
        %add3A_29 = arith.addi %add3A_28, %mul3A_27 : i32
        %mul3A_30 = arith.constant 640 : i32
        %mul3A_31 = arith.muli %arg1, %mul3A_30 : i32
        %mul3A_32 = arith.constant 64 : i32
        %mul3A_33 = arith.muli %add3A_29, %mul3A_32 : i32
        %add3A_34 = arith.addi %mul3A_31, %mul3A_33 : i32
        %multiple_of3A = tpu.assume_multiple %add3A_34, 8 : i32
        "tpu.region"() ({
          %run_scoped3A = tpu.sem_alloc : memref<!tpu.dma_semaphore, #tpu.memory_space<semaphore_mem>>
          %dma_start3A = tpu.memref_slice %arg3[%multiple_of3A] : memref<10240xi32, #tpu.memory_space<hbm>> -> memref<64xi32, #tpu.memory_space<hbm>>
          %dma_start3A_35 = tpu.memref_slice %arg3[%multiple_of3A] : memref<10240xi32, #tpu.memory_space<hbm>> -> memref<64xi32, #tpu.memory_space<hbm>>
          tpu.enqueue_dma source(%dma_start3A_35 : memref<64xi32, #tpu.memory_space<hbm>>) target(%arg9 : memref<64xi32, #tpu.memory_space<vmem>>) target_semaphore(%run_scoped3A : memref<!tpu.dma_semaphore, #tpu.memory_space<semaphore_mem>>)
          %dma_wait3A = tpu.memref_slice %arg3[%multiple_of3A] : memref<10240xi32, #tpu.memory_space<hbm>> -> memref<64xi32, #tpu.memory_space<hbm>>
          %dma_wait3A_36 = tpu.memref_slice %arg3[%multiple_of3A] : memref<10240xi32, #tpu.memory_space<hbm>> -> memref<64xi32, #tpu.memory_space<hbm>>
          tpu.wait_dma2 semaphore(%run_scoped3A : memref<!tpu.dma_semaphore, #tpu.memory_space<semaphore_mem>>) src(%dma_wait3A_36 : memref<64xi32, #tpu.memory_space<hbm>>) dst(%arg9 : memref<64xi32, #tpu.memory_space<vmem>>)
          tpu.yield
        }) : () -> ()
        "tpu.region"() ({
          %run_scoped3A = tpu.sem_alloc : memref<!tpu.dma_semaphore, #tpu.memory_space<semaphore_mem>>
          %dma_start3A = arith.constant 0 : i32
          %dma_start3A_35 = arith.constant 0 : i32
          %dma_start3A_36 = tpu.memref_slice %arg12[%dma_start3A, %dma_start3A_35] : memref<10016x128xf32, #tpu.memory_space<vmem_shared>> -> memref<10016x128xf32, #tpu.memory_space<vmem_shared>>
          tpu.enqueue_indirect_dma source(%arg11 : memref<64x128xf32, #tpu.memory_space<vmem>>) target(%dma_start3A_36 : memref<10016x128xf32, #tpu.memory_space<vmem_shared>>) offsets(%arg9 : memref<64xi32, #tpu.memory_space<vmem>>) semaphore(%run_scoped3A : memref<!tpu.dma_semaphore, #tpu.memory_space<semaphore_mem>>)
          %dma_wait3A = arith.constant 0 : i32
          %dma_wait3A_37 = arith.constant 0 : i32
          %dma_wait3A_38 = tpu.memref_slice %arg12[%dma_wait3A, %dma_wait3A_37] : memref<10016x128xf32, #tpu.memory_space<vmem_shared>> -> memref<10016x128xf32, #tpu.memory_space<vmem_shared>>
          tpu.wait_indirect_dma semaphore(%run_scoped3A : memref<!tpu.dma_semaphore, #tpu.memory_space<semaphore_mem>>) src(%arg11 : memref<64x128xf32, #tpu.memory_space<vmem>>) dst(%dma_wait3A_38 : memref<10016x128xf32, #tpu.memory_space<vmem_shared>>)
          tpu.yield
        }) : () -> ()
      }
      %scan3A_13 = arith.constant 10 : i32
      %barrier3A = arith.constant 0 : index
      tpu.barrier barrier_id(%barrier3A)
      %scan3A_14 = arith.constant 0 : i32
      %scan3A_15 = arith.constant 80 : i32
      %scan3A_16 = arith.addi %scan3A_14, %scan3A_15 : i32
      %scan3A_17 = arith.constant 1 : i32
      scf.for %scan3A_25 = %scan3A_14 to %scan3A_16 step %scan3A_17  : i32 {
        %mul3A_26 = arith.constant 1 : i32
        %mul3A_27 = arith.muli %scan3A_25, %mul3A_26 : i32
        %add3A_28 = arith.constant 0 : i32
        %add3A_29 = arith.addi %add3A_28, %mul3A_27 : i32
        "tpu.region"() ({
          %run_scoped3A = tpu.sem_alloc : memref<!tpu.dma_semaphore, #tpu.memory_space<semaphore_mem>>
          %dma_start3A = arith.constant 0 : i32
          %dma_start3A_30 = tpu.memref_slice %arg8[%add3A_29, %dma_start3A] : memref<80x64xi32, #tpu.memory_space<vmem>> -> memref<1x64xi32, #tpu.memory_space<vmem>>
          %dma_start3A_31 = tpu.memref_squeeze %dma_start3A_30 : memref<1x64xi32, #tpu.memory_space<vmem>> -> memref<64xi32, #tpu.memory_space<vmem>>
          %dma_start3A_32 = arith.constant 0 : i32
          %dma_start3A_33 = arith.constant 0 : i32
          %dma_start3A_34 = tpu.memref_slice %arg12[%dma_start3A_32, %dma_start3A_33] : memref<10016x128xf32, #tpu.memory_space<vmem_shared>> -> memref<10016x128xf32, #tpu.memory_space<vmem_shared>>
          tpu.enqueue_indirect_dma source(%arg10 : memref<64x128xf32, #tpu.memory_space<vmem>>) target(%dma_start3A_34 : memref<10016x128xf32, #tpu.memory_space<vmem_shared>>) offsets(%dma_start3A_31 : memref<64xi32, #tpu.memory_space<vmem>>) semaphore(%run_scoped3A : memref<!tpu.dma_semaphore, #tpu.memory_space<semaphore_mem>>) {add = true}
          %dma_wait3A = arith.constant 0 : i32
          %dma_wait3A_35 = tpu.memref_slice %arg8[%add3A_29, %dma_wait3A] : memref<80x64xi32, #tpu.memory_space<vmem>> -> memref<1x64xi32, #tpu.memory_space<vmem>>
          %dma_wait3A_36 = tpu.memref_squeeze %dma_wait3A_35 : memref<1x64xi32, #tpu.memory_space<vmem>> -> memref<64xi32, #tpu.memory_space<vmem>>
          %dma_wait3A_37 = arith.constant 0 : i32
          %dma_wait3A_38 = arith.constant 0 : i32
          %dma_wait3A_39 = tpu.memref_slice %arg12[%dma_wait3A_37, %dma_wait3A_38] : memref<10016x128xf32, #tpu.memory_space<vmem_shared>> -> memref<10016x128xf32, #tpu.memory_space<vmem_shared>>
          tpu.wait_indirect_dma semaphore(%run_scoped3A : memref<!tpu.dma_semaphore, #tpu.memory_space<semaphore_mem>>) src(%arg10 : memref<64x128xf32, #tpu.memory_space<vmem>>) dst(%dma_wait3A_39 : memref<10016x128xf32, #tpu.memory_space<vmem_shared>>)
          tpu.yield
        }) : () -> ()
      }
      %scan3A_18 = arith.constant 80 : i32
      %barrier3A_19 = arith.constant 0 : index
      tpu.barrier barrier_id(%barrier3A_19)
      %scan3A_20 = arith.constant 0 : i32
      %scan3A_21 = arith.constant 10 : i32
      %scan3A_22 = arith.addi %scan3A_20, %scan3A_21 : i32
      %scan3A_23 = arith.constant 1 : i32
      scf.for %scan3A_25 = %scan3A_20 to %scan3A_22 step %scan3A_23  : i32 {
        %mul3A_26 = arith.constant 1 : i32
        %mul3A_27 = arith.muli %scan3A_25, %mul3A_26 : i32
        %add3A_28 = arith.constant 0 : i32
        %add3A_29 = arith.addi %add3A_28, %mul3A_27 : i32
        %mul3A_30 = arith.constant 640 : i32
        %mul3A_31 = arith.muli %arg1, %mul3A_30 : i32
        %mul3A_32 = arith.constant 64 : i32
        %mul3A_33 = arith.muli %add3A_29, %mul3A_32 : i32
        %add3A_34 = arith.addi %mul3A_31, %mul3A_33 : i32
        %multiple_of3A = tpu.assume_multiple %add3A_34, 8 : i32
        "tpu.region"() ({
          %run_scoped3A = tpu.sem_alloc : memref<!tpu.dma_semaphore, #tpu.memory_space<semaphore_mem>>
          %dma_start3A = tpu.memref_slice %arg3[%multiple_of3A] : memref<10240xi32, #tpu.memory_space<hbm>> -> memref<64xi32, #tpu.memory_space<hbm>>
          %dma_start3A_35 = tpu.memref_slice %arg3[%multiple_of3A] : memref<10240xi32, #tpu.memory_space<hbm>> -> memref<64xi32, #tpu.memory_space<hbm>>
          tpu.enqueue_dma source(%dma_start3A_35 : memref<64xi32, #tpu.memory_space<hbm>>) target(%arg9 : memref<64xi32, #tpu.memory_space<vmem>>) target_semaphore(%run_scoped3A : memref<!tpu.dma_semaphore, #tpu.memory_space<semaphore_mem>>)
          %dma_wait3A = tpu.memref_slice %arg3[%multiple_of3A] : memref<10240xi32, #tpu.memory_space<hbm>> -> memref<64xi32, #tpu.memory_space<hbm>>
          %dma_wait3A_36 = tpu.memref_slice %arg3[%multiple_of3A] : memref<10240xi32, #tpu.memory_space<hbm>> -> memref<64xi32, #tpu.memory_space<hbm>>
          tpu.wait_dma2 semaphore(%run_scoped3A : memref<!tpu.dma_semaphore, #tpu.memory_space<semaphore_mem>>) src(%dma_wait3A_36 : memref<64xi32, #tpu.memory_space<hbm>>) dst(%arg9 : memref<64xi32, #tpu.memory_space<vmem>>)
          tpu.yield
        }) : () -> ()
        "tpu.region"() ({
          %run_scoped3A = tpu.sem_alloc : memref<!tpu.dma_semaphore, #tpu.memory_space<semaphore_mem>>
          %dma_start3A = arith.constant 0 : i32
          %dma_start3A_35 = arith.constant 0 : i32
          %dma_start3A_36 = tpu.memref_slice %arg12[%dma_start3A, %dma_start3A_35] : memref<10016x128xf32, #tpu.memory_space<vmem_shared>> -> memref<10016x128xf32, #tpu.memory_space<vmem_shared>>
          tpu.enqueue_indirect_dma source(%dma_start3A_36 : memref<10016x128xf32, #tpu.memory_space<vmem_shared>>) target(%arg11 : memref<64x128xf32, #tpu.memory_space<vmem>>) offsets(%arg9 : memref<64xi32, #tpu.memory_space<vmem>>) semaphore(%run_scoped3A : memref<!tpu.dma_semaphore, #tpu.memory_space<semaphore_mem>>)
          %dma_wait3A = arith.constant 0 : i32
          %dma_wait3A_37 = arith.constant 0 : i32
          %dma_wait3A_38 = tpu.memref_slice %arg12[%dma_wait3A, %dma_wait3A_37] : memref<10016x128xf32, #tpu.memory_space<vmem_shared>> -> memref<10016x128xf32, #tpu.memory_space<vmem_shared>>
          tpu.wait_indirect_dma semaphore(%run_scoped3A : memref<!tpu.dma_semaphore, #tpu.memory_space<semaphore_mem>>) src(%dma_wait3A_38 : memref<10016x128xf32, #tpu.memory_space<vmem_shared>>) dst(%arg11 : memref<64x128xf32, #tpu.memory_space<vmem>>)
          tpu.yield
        }) : () -> ()
        "tpu.region"() ({
          %run_scoped3A = tpu.sem_alloc : memref<!tpu.dma_semaphore, #tpu.memory_space<semaphore_mem>>
          %dma_start3A = arith.constant 0 : i32
          %dma_start3A_35 = tpu.memref_slice %arg6[%multiple_of3A, %dma_start3A] : memref<10240x128xf32, #tpu.memory_space<hbm>> -> memref<64x128xf32, #tpu.memory_space<hbm>>
          %dma_start3A_36 = arith.constant 0 : i32
          %dma_start3A_37 = tpu.memref_slice %arg6[%multiple_of3A, %dma_start3A_36] : memref<10240x128xf32, #tpu.memory_space<hbm>> -> memref<64x128xf32, #tpu.memory_space<hbm>>
          tpu.enqueue_dma source(%arg11 : memref<64x128xf32, #tpu.memory_space<vmem>>) target(%dma_start3A_37 : memref<64x128xf32, #tpu.memory_space<hbm>>) target_semaphore(%run_scoped3A : memref<!tpu.dma_semaphore, #tpu.memory_space<semaphore_mem>>)
          %dma_wait3A = arith.constant 0 : i32
          %dma_wait3A_38 = tpu.memref_slice %arg6[%multiple_of3A, %dma_wait3A] : memref<10240x128xf32, #tpu.memory_space<hbm>> -> memref<64x128xf32, #tpu.memory_space<hbm>>
          %dma_wait3A_39 = arith.constant 0 : i32
          %dma_wait3A_40 = tpu.memref_slice %arg6[%multiple_of3A, %dma_wait3A_39] : memref<10240x128xf32, #tpu.memory_space<hbm>> -> memref<64x128xf32, #tpu.memory_space<hbm>>
          tpu.wait_dma2 semaphore(%run_scoped3A : memref<!tpu.dma_semaphore, #tpu.memory_space<semaphore_mem>>) src(%arg11 : memref<64x128xf32, #tpu.memory_space<vmem>>) dst(%dma_wait3A_40 : memref<64x128xf32, #tpu.memory_space<hbm>>)
          tpu.yield
        }) : () -> ()
      }
      %scan3A_24 = arith.constant 10 : i32
    } else {
    }
    %eq3A_2 = arith.constant 1 : i32
    %eq3A_3 = arith.cmpi eq, %arg0, %eq3A_2 : i32
    %convert_element_type3A_4 = arith.extui %eq3A_3 : i1 to i32
    %cond3A_5 = arith.constant 0 : i32
    %cond3A_6 = arith.cmpi ne, %convert_element_type3A_4, %cond3A_5 : i32
    scf.if %cond3A_6 {
      "tpu.region"() ({
        %run_scoped3A = tpu.sem_alloc : memref<!tpu.dma_semaphore, #tpu.memory_space<semaphore_mem>>
        tpu.enqueue_dma source(%arg4 : memref<64x128xf32, #tpu.memory_space<hbm>>) target(%arg10 : memref<64x128xf32, #tpu.memory_space<vmem>>) target_semaphore(%run_scoped3A : memref<!tpu.dma_semaphore, #tpu.memory_space<semaphore_mem>>)
        tpu.wait_dma2 semaphore(%run_scoped3A : memref<!tpu.dma_semaphore, #tpu.memory_space<semaphore_mem>>) src(%arg4 : memref<64x128xf32, #tpu.memory_space<hbm>>) dst(%arg10 : memref<64x128xf32, #tpu.memory_space<vmem>>)
        tpu.yield
      }) : () -> ()
      "tpu.region"() ({
        %run_scoped3A = tpu.sem_alloc : memref<!tpu.dma_semaphore, #tpu.memory_space<semaphore_mem>>
        tpu.enqueue_dma source(%arg5 : memref<64x128xf32, #tpu.memory_space<hbm>>) target(%arg11 : memref<64x128xf32, #tpu.memory_space<vmem>>) target_semaphore(%run_scoped3A : memref<!tpu.dma_semaphore, #tpu.memory_space<semaphore_mem>>)
        tpu.wait_dma2 semaphore(%run_scoped3A : memref<!tpu.dma_semaphore, #tpu.memory_space<semaphore_mem>>) src(%arg5 : memref<64x128xf32, #tpu.memory_space<hbm>>) dst(%arg11 : memref<64x128xf32, #tpu.memory_space<vmem>>)
        tpu.yield
      }) : () -> ()
      %mul3A = arith.constant 1280 : i32
      %mul3A_7 = arith.muli %arg0, %mul3A : i32
      %mul3A_8 = arith.constant 80 : i32
      %mul3A_9 = arith.muli %arg1, %mul3A_8 : i32
      %add3A = arith.addi %mul3A_7, %mul3A_9 : i32
      "tpu.region"() ({
        %run_scoped3A = tpu.sem_alloc : memref<!tpu.dma_semaphore, #tpu.memory_space<semaphore_mem>>
        %dma_start3A = arith.constant 0 : i32
        %dma_start3A_25 = tpu.memref_slice %arg2[%add3A, %dma_start3A] : memref<2560x64xi32, #tpu.memory_space<hbm>> -> memref<80x64xi32, #tpu.memory_space<hbm>>
        %dma_start3A_26 = arith.constant 0 : i32
        %dma_start3A_27 = tpu.memref_slice %arg2[%add3A, %dma_start3A_26] : memref<2560x64xi32, #tpu.memory_space<hbm>> -> memref<80x64xi32, #tpu.memory_space<hbm>>
        tpu.enqueue_dma source(%dma_start3A_27 : memref<80x64xi32, #tpu.memory_space<hbm>>) target(%arg8 : memref<80x64xi32, #tpu.memory_space<vmem>>) target_semaphore(%run_scoped3A : memref<!tpu.dma_semaphore, #tpu.memory_space<semaphore_mem>>)
        %dma_wait3A = arith.constant 0 : i32
        %dma_wait3A_28 = tpu.memref_slice %arg2[%add3A, %dma_wait3A] : memref<2560x64xi32, #tpu.memory_space<hbm>> -> memref<80x64xi32, #tpu.memory_space<hbm>>
        %dma_wait3A_29 = arith.constant 0 : i32
        %dma_wait3A_30 = tpu.memref_slice %arg2[%add3A, %dma_wait3A_29] : memref<2560x64xi32, #tpu.memory_space<hbm>> -> memref<80x64xi32, #tpu.memory_space<hbm>>
        tpu.wait_dma2 semaphore(%run_scoped3A : memref<!tpu.dma_semaphore, #tpu.memory_space<semaphore_mem>>) src(%dma_wait3A_30 : memref<80x64xi32, #tpu.memory_space<hbm>>) dst(%arg8 : memref<80x64xi32, #tpu.memory_space<vmem>>)
        tpu.yield
      }) : () -> ()
      %scan3A = arith.constant 0 : i32
      %scan3A_10 = arith.constant 10 : i32
      %scan3A_11 = arith.addi %scan3A, %scan3A_10 : i32
      %scan3A_12 = arith.constant 1 : i32
      scf.for %scan3A_25 = %scan3A to %scan3A_11 step %scan3A_12  : i32 {
        %mul3A_26 = arith.constant 1 : i32
        %mul3A_27 = arith.muli %scan3A_25, %mul3A_26 : i32
        %add3A_28 = arith.constant 0 : i32
        %add3A_29 = arith.addi %add3A_28, %mul3A_27 : i32
        %mul3A_30 = arith.constant 640 : i32
        %mul3A_31 = arith.muli %arg1, %mul3A_30 : i32
        %mul3A_32 = arith.constant 64 : i32
        %mul3A_33 = arith.muli %add3A_29, %mul3A_32 : i32
        %add3A_34 = arith.addi %mul3A_31, %mul3A_33 : i32
        %multiple_of3A = tpu.assume_multiple %add3A_34, 8 : i32
        "tpu.region"() ({
          %run_scoped3A = tpu.sem_alloc : memref<!tpu.dma_semaphore, #tpu.memory_space<semaphore_mem>>
          %dma_start3A = tpu.memref_slice %arg3[%multiple_of3A] : memref<10240xi32, #tpu.memory_space<hbm>> -> memref<64xi32, #tpu.memory_space<hbm>>
          %dma_start3A_35 = tpu.memref_slice %arg3[%multiple_of3A] : memref<10240xi32, #tpu.memory_space<hbm>> -> memref<64xi32, #tpu.memory_space<hbm>>
          tpu.enqueue_dma source(%dma_start3A_35 : memref<64xi32, #tpu.memory_space<hbm>>) target(%arg9 : memref<64xi32, #tpu.memory_space<vmem>>) target_semaphore(%run_scoped3A : memref<!tpu.dma_semaphore, #tpu.memory_space<semaphore_mem>>)
          %dma_wait3A = tpu.memref_slice %arg3[%multiple_of3A] : memref<10240xi32, #tpu.memory_space<hbm>> -> memref<64xi32, #tpu.memory_space<hbm>>
          %dma_wait3A_36 = tpu.memref_slice %arg3[%multiple_of3A] : memref<10240xi32, #tpu.memory_space<hbm>> -> memref<64xi32, #tpu.memory_space<hbm>>
          tpu.wait_dma2 semaphore(%run_scoped3A : memref<!tpu.dma_semaphore, #tpu.memory_space<semaphore_mem>>) src(%dma_wait3A_36 : memref<64xi32, #tpu.memory_space<hbm>>) dst(%arg9 : memref<64xi32, #tpu.memory_space<vmem>>)
          tpu.yield
        }) : () -> ()
        "tpu.region"() ({
          %run_scoped3A = tpu.sem_alloc : memref<!tpu.dma_semaphore, #tpu.memory_space<semaphore_mem>>
          %dma_start3A = arith.constant 0 : i32
          %dma_start3A_35 = arith.constant 0 : i32
          %dma_start3A_36 = tpu.memref_slice %arg12[%dma_start3A, %dma_start3A_35] : memref<10016x128xf32, #tpu.memory_space<vmem_shared>> -> memref<10016x128xf32, #tpu.memory_space<vmem_shared>>
          tpu.enqueue_indirect_dma source(%arg11 : memref<64x128xf32, #tpu.memory_space<vmem>>) target(%dma_start3A_36 : memref<10016x128xf32, #tpu.memory_space<vmem_shared>>) offsets(%arg9 : memref<64xi32, #tpu.memory_space<vmem>>) semaphore(%run_scoped3A : memref<!tpu.dma_semaphore, #tpu.memory_space<semaphore_mem>>)
          %dma_wait3A = arith.constant 0 : i32
          %dma_wait3A_37 = arith.constant 0 : i32
          %dma_wait3A_38 = tpu.memref_slice %arg12[%dma_wait3A, %dma_wait3A_37] : memref<10016x128xf32, #tpu.memory_space<vmem_shared>> -> memref<10016x128xf32, #tpu.memory_space<vmem_shared>>
          tpu.wait_indirect_dma semaphore(%run_scoped3A : memref<!tpu.dma_semaphore, #tpu.memory_space<semaphore_mem>>) src(%arg11 : memref<64x128xf32, #tpu.memory_space<vmem>>) dst(%dma_wait3A_38 : memref<10016x128xf32, #tpu.memory_space<vmem_shared>>)
          tpu.yield
        }) : () -> ()
      }
      %scan3A_13 = arith.constant 10 : i32
      %barrier3A = arith.constant 0 : index
      tpu.barrier barrier_id(%barrier3A)
      %scan3A_14 = arith.constant 0 : i32
      %scan3A_15 = arith.constant 80 : i32
      %scan3A_16 = arith.addi %scan3A_14, %scan3A_15 : i32
      %scan3A_17 = arith.constant 1 : i32
      scf.for %scan3A_25 = %scan3A_14 to %scan3A_16 step %scan3A_17  : i32 {
        %mul3A_26 = arith.constant 1 : i32
        %mul3A_27 = arith.muli %scan3A_25, %mul3A_26 : i32
        %add3A_28 = arith.constant 0 : i32
        %add3A_29 = arith.addi %add3A_28, %mul3A_27 : i32
        "tpu.region"() ({
          %run_scoped3A = tpu.sem_alloc : memref<!tpu.dma_semaphore, #tpu.memory_space<semaphore_mem>>
          %dma_start3A = arith.constant 0 : i32
          %dma_start3A_30 = tpu.memref_slice %arg8[%add3A_29, %dma_start3A] : memref<80x64xi32, #tpu.memory_space<vmem>> -> memref<1x64xi32, #tpu.memory_space<vmem>>
          %dma_start3A_31 = tpu.memref_squeeze %dma_start3A_30 : memref<1x64xi32, #tpu.memory_space<vmem>> -> memref<64xi32, #tpu.memory_space<vmem>>
          %dma_start3A_32 = arith.constant 0 : i32
          %dma_start3A_33 = arith.constant 0 : i32
          %dma_start3A_34 = tpu.memref_slice %arg12[%dma_start3A_32, %dma_start3A_33] : memref<10016x128xf32, #tpu.memory_space<vmem_shared>> -> memref<10016x128xf32, #tpu.memory_space<vmem_shared>>
          tpu.enqueue_indirect_dma source(%arg10 : memref<64x128xf32, #tpu.memory_space<vmem>>) target(%dma_start3A_34 : memref<10016x128xf32, #tpu.memory_space<vmem_shared>>) offsets(%dma_start3A_31 : memref<64xi32, #tpu.memory_space<vmem>>) semaphore(%run_scoped3A : memref<!tpu.dma_semaphore, #tpu.memory_space<semaphore_mem>>) {add = true}
          %dma_wait3A = arith.constant 0 : i32
          %dma_wait3A_35 = tpu.memref_slice %arg8[%add3A_29, %dma_wait3A] : memref<80x64xi32, #tpu.memory_space<vmem>> -> memref<1x64xi32, #tpu.memory_space<vmem>>
          %dma_wait3A_36 = tpu.memref_squeeze %dma_wait3A_35 : memref<1x64xi32, #tpu.memory_space<vmem>> -> memref<64xi32, #tpu.memory_space<vmem>>
          %dma_wait3A_37 = arith.constant 0 : i32
          %dma_wait3A_38 = arith.constant 0 : i32
          %dma_wait3A_39 = tpu.memref_slice %arg12[%dma_wait3A_37, %dma_wait3A_38] : memref<10016x128xf32, #tpu.memory_space<vmem_shared>> -> memref<10016x128xf32, #tpu.memory_space<vmem_shared>>
          tpu.wait_indirect_dma semaphore(%run_scoped3A : memref<!tpu.dma_semaphore, #tpu.memory_space<semaphore_mem>>) src(%arg10 : memref<64x128xf32, #tpu.memory_space<vmem>>) dst(%dma_wait3A_39 : memref<10016x128xf32, #tpu.memory_space<vmem_shared>>)
          tpu.yield
        }) : () -> ()
      }
      %scan3A_18 = arith.constant 80 : i32
      %barrier3A_19 = arith.constant 0 : index
      tpu.barrier barrier_id(%barrier3A_19)
      %scan3A_20 = arith.constant 0 : i32
      %scan3A_21 = arith.constant 10 : i32
      %scan3A_22 = arith.addi %scan3A_20, %scan3A_21 : i32
      %scan3A_23 = arith.constant 1 : i32
      scf.for %scan3A_25 = %scan3A_20 to %scan3A_22 step %scan3A_23  : i32 {
        %mul3A_26 = arith.constant 1 : i32
        %mul3A_27 = arith.muli %scan3A_25, %mul3A_26 : i32
        %add3A_28 = arith.constant 0 : i32
        %add3A_29 = arith.addi %add3A_28, %mul3A_27 : i32
        %mul3A_30 = arith.constant 640 : i32
        %mul3A_31 = arith.muli %arg1, %mul3A_30 : i32
        %mul3A_32 = arith.constant 64 : i32
        %mul3A_33 = arith.muli %add3A_29, %mul3A_32 : i32
        %add3A_34 = arith.addi %mul3A_31, %mul3A_33 : i32
        %multiple_of3A = tpu.assume_multiple %add3A_34, 8 : i32
        "tpu.region"() ({
          %run_scoped3A = tpu.sem_alloc : memref<!tpu.dma_semaphore, #tpu.memory_space<semaphore_mem>>
          %dma_start3A = tpu.memref_slice %arg3[%multiple_of3A] : memref<10240xi32, #tpu.memory_space<hbm>> -> memref<64xi32, #tpu.memory_space<hbm>>
          %dma_start3A_35 = tpu.memref_slice %arg3[%multiple_of3A] : memref<10240xi32, #tpu.memory_space<hbm>> -> memref<64xi32, #tpu.memory_space<hbm>>
          tpu.enqueue_dma source(%dma_start3A_35 : memref<64xi32, #tpu.memory_space<hbm>>) target(%arg9 : memref<64xi32, #tpu.memory_space<vmem>>) target_semaphore(%run_scoped3A : memref<!tpu.dma_semaphore, #tpu.memory_space<semaphore_mem>>)
          %dma_wait3A = tpu.memref_slice %arg3[%multiple_of3A] : memref<10240xi32, #tpu.memory_space<hbm>> -> memref<64xi32, #tpu.memory_space<hbm>>
          %dma_wait3A_36 = tpu.memref_slice %arg3[%multiple_of3A] : memref<10240xi32, #tpu.memory_space<hbm>> -> memref<64xi32, #tpu.memory_space<hbm>>
          tpu.wait_dma2 semaphore(%run_scoped3A : memref<!tpu.dma_semaphore, #tpu.memory_space<semaphore_mem>>) src(%dma_wait3A_36 : memref<64xi32, #tpu.memory_space<hbm>>) dst(%arg9 : memref<64xi32, #tpu.memory_space<vmem>>)
          tpu.yield
        }) : () -> ()
        "tpu.region"() ({
          %run_scoped3A = tpu.sem_alloc : memref<!tpu.dma_semaphore, #tpu.memory_space<semaphore_mem>>
          %dma_start3A = arith.constant 0 : i32
          %dma_start3A_35 = arith.constant 0 : i32
          %dma_start3A_36 = tpu.memref_slice %arg12[%dma_start3A, %dma_start3A_35] : memref<10016x128xf32, #tpu.memory_space<vmem_shared>> -> memref<10016x128xf32, #tpu.memory_space<vmem_shared>>
          tpu.enqueue_indirect_dma source(%dma_start3A_36 : memref<10016x128xf32, #tpu.memory_space<vmem_shared>>) target(%arg11 : memref<64x128xf32, #tpu.memory_space<vmem>>) offsets(%arg9 : memref<64xi32, #tpu.memory_space<vmem>>) semaphore(%run_scoped3A : memref<!tpu.dma_semaphore, #tpu.memory_space<semaphore_mem>>)
          %dma_wait3A = arith.constant 0 : i32
          %dma_wait3A_37 = arith.constant 0 : i32
          %dma_wait3A_38 = tpu.memref_slice %arg12[%dma_wait3A, %dma_wait3A_37] : memref<10016x128xf32, #tpu.memory_space<vmem_shared>> -> memref<10016x128xf32, #tpu.memory_space<vmem_shared>>
          tpu.wait_indirect_dma semaphore(%run_scoped3A : memref<!tpu.dma_semaphore, #tpu.memory_space<semaphore_mem>>) src(%dma_wait3A_38 : memref<10016x128xf32, #tpu.memory_space<vmem_shared>>) dst(%arg11 : memref<64x128xf32, #tpu.memory_space<vmem>>)
          tpu.yield
        }) : () -> ()
        "tpu.region"() ({
          %run_scoped3A = tpu.sem_alloc : memref<!tpu.dma_semaphore, #tpu.memory_space<semaphore_mem>>
          %dma_start3A = arith.constant 0 : i32
          %dma_start3A_35 = tpu.memref_slice %arg7[%multiple_of3A, %dma_start3A] : memref<10240x128xf32, #tpu.memory_space<hbm>> -> memref<64x128xf32, #tpu.memory_space<hbm>>
          %dma_start3A_36 = arith.constant 0 : i32
          %dma_start3A_37 = tpu.memref_slice %arg7[%multiple_of3A, %dma_start3A_36] : memref<10240x128xf32, #tpu.memory_space<hbm>> -> memref<64x128xf32, #tpu.memory_space<hbm>>
          tpu.enqueue_dma source(%arg11 : memref<64x128xf32, #tpu.memory_space<vmem>>) target(%dma_start3A_37 : memref<64x128xf32, #tpu.memory_space<hbm>>) target_semaphore(%run_scoped3A : memref<!tpu.dma_semaphore, #tpu.memory_space<semaphore_mem>>)
          %dma_wait3A = arith.constant 0 : i32
          %dma_wait3A_38 = tpu.memref_slice %arg7[%multiple_of3A, %dma_wait3A] : memref<10240x128xf32, #tpu.memory_space<hbm>> -> memref<64x128xf32, #tpu.memory_space<hbm>>
          %dma_wait3A_39 = arith.constant 0 : i32
          %dma_wait3A_40 = tpu.memref_slice %arg7[%multiple_of3A, %dma_wait3A_39] : memref<10240x128xf32, #tpu.memory_space<hbm>> -> memref<64x128xf32, #tpu.memory_space<hbm>>
          tpu.wait_dma2 semaphore(%run_scoped3A : memref<!tpu.dma_semaphore, #tpu.memory_space<semaphore_mem>>) src(%arg11 : memref<64x128xf32, #tpu.memory_space<vmem>>) dst(%dma_wait3A_40 : memref<64x128xf32, #tpu.memory_space<hbm>>)
          tpu.yield
        }) : () -> ()
      }
      %scan3A_24 = arith.constant 10 : i32
    } else {
    }
    return
  }
}

#map = affine_map<(d0, d1) -> (0, 0)>
#map1 = affine_map<(d0, d1) -> (0)>
module attributes {stable_mosaic.version = 14 : i64} {
  func.func @_seg_body(%arg0: i32, %arg1: i32, %arg2: memref<10000x128xf32, #tpu.memory_space<hbm>>, %arg3: memref<10000x128xf32, #tpu.memory_space<hbm>>, %arg4: memref<2560x64xi32, #tpu.memory_space<hbm>>, %arg5: memref<2560x64xi32, #tpu.memory_space<hbm>>, %arg6: memref<10240xi32, #tpu.memory_space<hbm>>, %arg7: memref<64x128xf32, #tpu.memory_space<hbm>>, %arg8: memref<10240x128xf32, #tpu.memory_space<hbm>>, %arg9: memref<10240x128xf32, #tpu.memory_space<hbm>>, %arg10: memref<160x64xi32, #tpu.memory_space<vmem>>, %arg11: memref<64xi32, #tpu.memory_space<vmem>>, %arg12: memref<64xi32, #tpu.memory_space<vmem>>, %arg13: memref<64xi32, #tpu.memory_space<vmem>>, %arg14: memref<64x128xf32, #tpu.memory_space<vmem>>, %arg15: memref<64x128xf32, #tpu.memory_space<vmem>>, %arg16: memref<10016x128xf32, #tpu.memory_space<vmem_shared>>, %arg17: memref<!tpu.dma_semaphore, #tpu.memory_space<semaphore_mem>>, %arg18: memref<!tpu.dma_semaphore, #tpu.memory_space<semaphore_mem>>, %arg19: memref<!tpu.dma_semaphore, #tpu.memory_space<semaphore_mem>>, %arg20: memref<!tpu.dma_semaphore, #tpu.memory_space<semaphore_mem>>) attributes {dimension_semantics = [#tpu.dimension_semantics<core_parallel>, #tpu.dimension_semantics<subcore_parallel>], iteration_bounds = array<i64: 2, 16>, scalar_prefetch = 0 : i64, scratch_operands = 11 : i64, tpu.core_type = #tpu.core_type<sc_vector_subcore>, window_params = [{transform_indices = #map}, {transform_indices = #map}, {transform_indices = #map}, {transform_indices = #map}, {transform_indices = #map1}, {transform_indices = #map}, {transform_indices = #map}, {transform_indices = #map}]} {
    %mul3A = arith.constant 160 : i32
    %mul3A_0 = arith.muli %arg1, %mul3A : i32
    %eq3A = arith.constant 0 : i32
    %eq3A_1 = arith.cmpi eq, %arg0, %eq3A : i32
    %convert_element_type3A = arith.extui %eq3A_1 : i1 to i32
    %cond3A = arith.constant 0 : i32
    %cond3A_2 = arith.cmpi ne, %convert_element_type3A, %cond3A : i32
    scf.if %cond3A_2 {
      "tpu.region"() ({
        %run_scoped3A = tpu.sem_alloc : memref<!tpu.dma_semaphore, #tpu.memory_space<semaphore_mem>>
        tpu.enqueue_dma source(%arg7 : memref<64x128xf32, #tpu.memory_space<hbm>>) target(%arg14 : memref<64x128xf32, #tpu.memory_space<vmem>>) target_semaphore(%run_scoped3A : memref<!tpu.dma_semaphore, #tpu.memory_space<semaphore_mem>>)
        tpu.wait_dma2 semaphore(%run_scoped3A : memref<!tpu.dma_semaphore, #tpu.memory_space<semaphore_mem>>) src(%arg7 : memref<64x128xf32, #tpu.memory_space<hbm>>) dst(%arg14 : memref<64x128xf32, #tpu.memory_space<vmem>>)
        tpu.yield
      }) : () -> ()
      "tpu.region"() ({
        %run_scoped3A = tpu.sem_alloc : memref<!tpu.dma_semaphore, #tpu.memory_space<semaphore_mem>>
        %dma_start3A_44 = arith.constant 0 : i32
        %dma_start3A_45 = tpu.memref_slice %arg5[%mul3A_0, %dma_start3A_44] : memref<2560x64xi32, #tpu.memory_space<hbm>> -> memref<160x64xi32, #tpu.memory_space<hbm>>
        %dma_start3A_46 = arith.constant 0 : i32
        %dma_start3A_47 = tpu.memref_slice %arg5[%mul3A_0, %dma_start3A_46] : memref<2560x64xi32, #tpu.memory_space<hbm>> -> memref<160x64xi32, #tpu.memory_space<hbm>>
        tpu.enqueue_dma source(%dma_start3A_47 : memref<160x64xi32, #tpu.memory_space<hbm>>) target(%arg10 : memref<160x64xi32, #tpu.memory_space<vmem>>) target_semaphore(%run_scoped3A : memref<!tpu.dma_semaphore, #tpu.memory_space<semaphore_mem>>)
        %dma_wait3A_48 = arith.constant 0 : i32
        %dma_wait3A_49 = tpu.memref_slice %arg5[%mul3A_0, %dma_wait3A_48] : memref<2560x64xi32, #tpu.memory_space<hbm>> -> memref<160x64xi32, #tpu.memory_space<hbm>>
        %dma_wait3A_50 = arith.constant 0 : i32
        %dma_wait3A_51 = tpu.memref_slice %arg5[%mul3A_0, %dma_wait3A_50] : memref<2560x64xi32, #tpu.memory_space<hbm>> -> memref<160x64xi32, #tpu.memory_space<hbm>>
        tpu.wait_dma2 semaphore(%run_scoped3A : memref<!tpu.dma_semaphore, #tpu.memory_space<semaphore_mem>>) src(%dma_wait3A_51 : memref<160x64xi32, #tpu.memory_space<hbm>>) dst(%arg10 : memref<160x64xi32, #tpu.memory_space<vmem>>)
        tpu.yield
      }) : () -> ()
      %scan3A = arith.constant 0 : i32
      %scan3A_8 = arith.constant 10 : i32
      %scan3A_9 = arith.addi %scan3A, %scan3A_8 : i32
      %scan3A_10 = arith.constant 1 : i32
      scf.for %scan3A_44 = %scan3A to %scan3A_9 step %scan3A_10  : i32 {
        %mul3A_45 = arith.constant 1 : i32
        %mul3A_46 = arith.muli %scan3A_44, %mul3A_45 : i32
        %add3A_47 = arith.constant 0 : i32
        %add3A_48 = arith.addi %add3A_47, %mul3A_46 : i32
        %mul3A_49 = arith.constant 640 : i32
        %mul3A_50 = arith.muli %arg1, %mul3A_49 : i32
        %mul3A_51 = arith.constant 64 : i32
        %mul3A_52 = arith.muli %add3A_48, %mul3A_51 : i32
        %add3A_53 = arith.addi %mul3A_50, %mul3A_52 : i32
        %multiple_of3A = tpu.assume_multiple %add3A_53, 8 : i32
        "tpu.region"() ({
          %run_scoped3A = tpu.sem_alloc : memref<!tpu.dma_semaphore, #tpu.memory_space<semaphore_mem>>
          %dma_start3A_54 = tpu.memref_slice %arg6[%multiple_of3A] : memref<10240xi32, #tpu.memory_space<hbm>> -> memref<64xi32, #tpu.memory_space<hbm>>
          %dma_start3A_55 = tpu.memref_slice %arg6[%multiple_of3A] : memref<10240xi32, #tpu.memory_space<hbm>> -> memref<64xi32, #tpu.memory_space<hbm>>
          tpu.enqueue_dma source(%dma_start3A_55 : memref<64xi32, #tpu.memory_space<hbm>>) target(%arg13 : memref<64xi32, #tpu.memory_space<vmem>>) target_semaphore(%run_scoped3A : memref<!tpu.dma_semaphore, #tpu.memory_space<semaphore_mem>>)
          %dma_wait3A_56 = tpu.memref_slice %arg6[%multiple_of3A] : memref<10240xi32, #tpu.memory_space<hbm>> -> memref<64xi32, #tpu.memory_space<hbm>>
          %dma_wait3A_57 = tpu.memref_slice %arg6[%multiple_of3A] : memref<10240xi32, #tpu.memory_space<hbm>> -> memref<64xi32, #tpu.memory_space<hbm>>
          tpu.wait_dma2 semaphore(%run_scoped3A : memref<!tpu.dma_semaphore, #tpu.memory_space<semaphore_mem>>) src(%dma_wait3A_57 : memref<64xi32, #tpu.memory_space<hbm>>) dst(%arg13 : memref<64xi32, #tpu.memory_space<vmem>>)
          tpu.yield
        }) : () -> ()
        "tpu.region"() ({
          %run_scoped3A = tpu.sem_alloc : memref<!tpu.dma_semaphore, #tpu.memory_space<semaphore_mem>>
          %dma_start3A_54 = arith.constant 0 : i32
          %dma_start3A_55 = arith.constant 0 : i32
          %dma_start3A_56 = tpu.memref_slice %arg16[%dma_start3A_54, %dma_start3A_55] : memref<10016x128xf32, #tpu.memory_space<vmem_shared>> -> memref<10016x128xf32, #tpu.memory_space<vmem_shared>>
          tpu.enqueue_indirect_dma source(%arg14 : memref<64x128xf32, #tpu.memory_space<vmem>>) target(%dma_start3A_56 : memref<10016x128xf32, #tpu.memory_space<vmem_shared>>) offsets(%arg13 : memref<64xi32, #tpu.memory_space<vmem>>) semaphore(%run_scoped3A : memref<!tpu.dma_semaphore, #tpu.memory_space<semaphore_mem>>)
          %dma_wait3A_57 = arith.constant 0 : i32
          %dma_wait3A_58 = arith.constant 0 : i32
          %dma_wait3A_59 = tpu.memref_slice %arg16[%dma_wait3A_57, %dma_wait3A_58] : memref<10016x128xf32, #tpu.memory_space<vmem_shared>> -> memref<10016x128xf32, #tpu.memory_space<vmem_shared>>
          tpu.wait_indirect_dma semaphore(%run_scoped3A : memref<!tpu.dma_semaphore, #tpu.memory_space<semaphore_mem>>) src(%arg14 : memref<64x128xf32, #tpu.memory_space<vmem>>) dst(%dma_wait3A_59 : memref<10016x128xf32, #tpu.memory_space<vmem_shared>>)
          tpu.yield
        }) : () -> ()
      }
      %scan3A_11 = arith.constant 10 : i32
      %barrier3A = arith.constant 0 : index
      tpu.barrier barrier_id(%barrier3A)
      "tpu.region"() ({
        %run_scoped3A = tpu.sem_alloc : memref<!tpu.dma_semaphore, #tpu.memory_space<semaphore_mem>>
        %dma_start3A_44 = arith.constant 0 : i32
        %dma_start3A_45 = tpu.memref_slice %arg4[%mul3A_0, %dma_start3A_44] : memref<2560x64xi32, #tpu.memory_space<hbm>> -> memref<1x64xi32, #tpu.memory_space<hbm>>
        %dma_start3A_46 = tpu.memref_squeeze %dma_start3A_45 : memref<1x64xi32, #tpu.memory_space<hbm>> -> memref<64xi32, #tpu.memory_space<hbm>>
        %dma_start3A_47 = arith.constant 0 : i32
        %dma_start3A_48 = tpu.memref_slice %arg4[%mul3A_0, %dma_start3A_47] : memref<2560x64xi32, #tpu.memory_space<hbm>> -> memref<1x64xi32, #tpu.memory_space<hbm>>
        %dma_start3A_49 = tpu.memref_squeeze %dma_start3A_48 : memref<1x64xi32, #tpu.memory_space<hbm>> -> memref<64xi32, #tpu.memory_space<hbm>>
        tpu.enqueue_dma source(%dma_start3A_49 : memref<64xi32, #tpu.memory_space<hbm>>) target(%arg11 : memref<64xi32, #tpu.memory_space<vmem>>) target_semaphore(%run_scoped3A : memref<!tpu.dma_semaphore, #tpu.memory_space<semaphore_mem>>)
        %dma_wait3A_50 = arith.constant 0 : i32
        %dma_wait3A_51 = tpu.memref_slice %arg4[%mul3A_0, %dma_wait3A_50] : memref<2560x64xi32, #tpu.memory_space<hbm>> -> memref<1x64xi32, #tpu.memory_space<hbm>>
        %dma_wait3A_52 = tpu.memref_squeeze %dma_wait3A_51 : memref<1x64xi32, #tpu.memory_space<hbm>> -> memref<64xi32, #tpu.memory_space<hbm>>
        %dma_wait3A_53 = arith.constant 0 : i32
        %dma_wait3A_54 = tpu.memref_slice %arg4[%mul3A_0, %dma_wait3A_53] : memref<2560x64xi32, #tpu.memory_space<hbm>> -> memref<1x64xi32, #tpu.memory_space<hbm>>
        %dma_wait3A_55 = tpu.memref_squeeze %dma_wait3A_54 : memref<1x64xi32, #tpu.memory_space<hbm>> -> memref<64xi32, #tpu.memory_space<hbm>>
        tpu.wait_dma2 semaphore(%run_scoped3A : memref<!tpu.dma_semaphore, #tpu.memory_space<semaphore_mem>>) src(%dma_wait3A_55 : memref<64xi32, #tpu.memory_space<hbm>>) dst(%arg11 : memref<64xi32, #tpu.memory_space<vmem>>)
        tpu.yield
      }) : () -> ()
      %dma_start3A = arith.constant 0 : i32
      %dma_start3A_12 = arith.constant 0 : i32
      %dma_start3A_13 = tpu.memref_slice %arg2[%dma_start3A, %dma_start3A_12] : memref<10000x128xf32, #tpu.memory_space<hbm>> -> memref<10000x128xf32, #tpu.memory_space<hbm>>
      tpu.enqueue_indirect_dma source(%dma_start3A_13 : memref<10000x128xf32, #tpu.memory_space<hbm>>) target(%arg14 : memref<64x128xf32, #tpu.memory_space<vmem>>) offsets(%arg11 : memref<64xi32, #tpu.memory_space<vmem>>) semaphore(%arg17 : memref<!tpu.dma_semaphore, #tpu.memory_space<semaphore_mem>>)
      %add3A = arith.constant 1 : i32
      %add3A_14 = arith.addi %mul3A_0, %add3A : i32
      %dma_start3A_15 = arith.constant 0 : i32
      %dma_start3A_16 = tpu.memref_slice %arg4[%add3A_14, %dma_start3A_15] : memref<2560x64xi32, #tpu.memory_space<hbm>> -> memref<1x64xi32, #tpu.memory_space<hbm>>
      %dma_start3A_17 = tpu.memref_squeeze %dma_start3A_16 : memref<1x64xi32, #tpu.memory_space<hbm>> -> memref<64xi32, #tpu.memory_space<hbm>>
      %dma_start3A_18 = arith.constant 0 : i32
      %dma_start3A_19 = tpu.memref_slice %arg4[%add3A_14, %dma_start3A_18] : memref<2560x64xi32, #tpu.memory_space<hbm>> -> memref<1x64xi32, #tpu.memory_space<hbm>>
      %dma_start3A_20 = tpu.memref_squeeze %dma_start3A_19 : memref<1x64xi32, #tpu.memory_space<hbm>> -> memref<64xi32, #tpu.memory_space<hbm>>
      tpu.enqueue_dma source(%dma_start3A_20 : memref<64xi32, #tpu.memory_space<hbm>>) target(%arg12 : memref<64xi32, #tpu.memory_space<vmem>>) target_semaphore(%arg20 : memref<!tpu.dma_semaphore, #tpu.memory_space<semaphore_mem>>)
      %scan3A_21 = arith.constant 0 : i32
      %scan3A_22 = arith.constant 80 : i32
      %scan3A_23 = arith.addi %scan3A_21, %scan3A_22 : i32
      %scan3A_24 = arith.constant 1 : i32
      scf.for %scan3A_44 = %scan3A_21 to %scan3A_23 step %scan3A_24  : i32 {
        %mul3A_45 = arith.constant 1 : i32
        %mul3A_46 = arith.muli %scan3A_44, %mul3A_45 : i32
        %add3A_47 = arith.constant 0 : i32
        %add3A_48 = arith.addi %add3A_47, %mul3A_46 : i32
        %mul3A_49 = arith.constant 2 : i32
        %mul3A_50 = arith.muli %add3A_48, %mul3A_49 : i32
        %dma_wait3A_51 = arith.constant 0 : i32
        %dma_wait3A_52 = arith.constant 0 : i32
        %dma_wait3A_53 = tpu.memref_slice %arg2[%dma_wait3A_51, %dma_wait3A_52] : memref<10000x128xf32, #tpu.memory_space<hbm>> -> memref<64x128xf32, #tpu.memory_space<hbm>>
        %dma_wait3A_54 = arith.constant 0 : i32
        %dma_wait3A_55 = arith.constant 0 : i32
        %dma_wait3A_56 = tpu.memref_slice %arg2[%dma_wait3A_54, %dma_wait3A_55] : memref<10000x128xf32, #tpu.memory_space<hbm>> -> memref<64x128xf32, #tpu.memory_space<hbm>>
        tpu.wait_dma2 semaphore(%arg17 : memref<!tpu.dma_semaphore, #tpu.memory_space<semaphore_mem>>) src(%dma_wait3A_56 : memref<64x128xf32, #tpu.memory_space<hbm>>) dst(%arg14 : memref<64x128xf32, #tpu.memory_space<vmem>>)
        %add3A_57 = arith.constant 2 : i32
        %add3A_58 = arith.addi %mul3A_50, %add3A_57 : i32
        %lt3A = arith.constant 160 : i32
        %lt3A_59 = arith.cmpi slt, %add3A_58, %lt3A : i32
        %add3A_60 = arith.addi %mul3A_0, %mul3A_50 : i32
        %add3A_61 = arith.constant 2 : i32
        %add3A_62 = arith.addi %add3A_60, %add3A_61 : i32
        %select_n3A = arith.select %lt3A_59, %add3A_62, %mul3A_0 : i32
        %dma_start3A_63 = arith.constant 0 : i32
        %dma_start3A_64 = tpu.memref_slice %arg4[%select_n3A, %dma_start3A_63] : memref<2560x64xi32, #tpu.memory_space<hbm>> -> memref<1x64xi32, #tpu.memory_space<hbm>>
        %dma_start3A_65 = tpu.memref_squeeze %dma_start3A_64 : memref<1x64xi32, #tpu.memory_space<hbm>> -> memref<64xi32, #tpu.memory_space<hbm>>
        %dma_start3A_66 = arith.constant 0 : i32
        %dma_start3A_67 = tpu.memref_slice %arg4[%select_n3A, %dma_start3A_66] : memref<2560x64xi32, #tpu.memory_space<hbm>> -> memref<1x64xi32, #tpu.memory_space<hbm>>
        %dma_start3A_68 = tpu.memref_squeeze %dma_start3A_67 : memref<1x64xi32, #tpu.memory_space<hbm>> -> memref<64xi32, #tpu.memory_space<hbm>>
        tpu.enqueue_dma source(%dma_start3A_68 : memref<64xi32, #tpu.memory_space<hbm>>) target(%arg11 : memref<64xi32, #tpu.memory_space<vmem>>) target_semaphore(%arg19 : memref<!tpu.dma_semaphore, #tpu.memory_space<semaphore_mem>>)
        %dma_wait3A_69 = arith.constant 0 : i32
        %dma_wait3A_70 = arith.constant 0 : i32
        %dma_wait3A_71 = tpu.memref_slice %arg4[%dma_wait3A_69, %dma_wait3A_70] : memref<2560x64xi32, #tpu.memory_space<hbm>> -> memref<1x64xi32, #tpu.memory_space<hbm>>
        %dma_wait3A_72 = tpu.memref_squeeze %dma_wait3A_71 : memref<1x64xi32, #tpu.memory_space<hbm>> -> memref<64xi32, #tpu.memory_space<hbm>>
        %dma_wait3A_73 = arith.constant 0 : i32
        %dma_wait3A_74 = tpu.memref_slice %arg4[%dma_wait3A_69, %dma_wait3A_73] : memref<2560x64xi32, #tpu.memory_space<hbm>> -> memref<1x64xi32, #tpu.memory_space<hbm>>
        %dma_wait3A_75 = tpu.memref_squeeze %dma_wait3A_74 : memref<1x64xi32, #tpu.memory_space<hbm>> -> memref<64xi32, #tpu.memory_space<hbm>>
        tpu.wait_dma2 semaphore(%arg20 : memref<!tpu.dma_semaphore, #tpu.memory_space<semaphore_mem>>) src(%dma_wait3A_75 : memref<64xi32, #tpu.memory_space<hbm>>) dst(%arg12 : memref<64xi32, #tpu.memory_space<vmem>>)
        %dma_start3A_76 = arith.constant 0 : i32
        %dma_start3A_77 = arith.constant 0 : i32
        %dma_start3A_78 = tpu.memref_slice %arg2[%dma_start3A_76, %dma_start3A_77] : memref<10000x128xf32, #tpu.memory_space<hbm>> -> memref<10000x128xf32, #tpu.memory_space<hbm>>
        tpu.enqueue_indirect_dma source(%dma_start3A_78 : memref<10000x128xf32, #tpu.memory_space<hbm>>) target(%arg15 : memref<64x128xf32, #tpu.memory_space<vmem>>) offsets(%arg12 : memref<64xi32, #tpu.memory_space<vmem>>) semaphore(%arg18 : memref<!tpu.dma_semaphore, #tpu.memory_space<semaphore_mem>>)
        "tpu.region"() ({
          %run_scoped3A = tpu.sem_alloc : memref<!tpu.dma_semaphore, #tpu.memory_space<semaphore_mem>>
          %dma_start3A_111 = arith.constant 0 : i32
          %dma_start3A_112 = tpu.memref_slice %arg10[%mul3A_50, %dma_start3A_111] : memref<160x64xi32, #tpu.memory_space<vmem>> -> memref<1x64xi32, #tpu.memory_space<vmem>>
          %dma_start3A_113 = tpu.memref_squeeze %dma_start3A_112 : memref<1x64xi32, #tpu.memory_space<vmem>> -> memref<64xi32, #tpu.memory_space<vmem>>
          %dma_start3A_114 = arith.constant 0 : i32
          %dma_start3A_115 = arith.constant 0 : i32
          %dma_start3A_116 = tpu.memref_slice %arg16[%dma_start3A_114, %dma_start3A_115] : memref<10016x128xf32, #tpu.memory_space<vmem_shared>> -> memref<10016x128xf32, #tpu.memory_space<vmem_shared>>
          tpu.enqueue_indirect_dma source(%arg14 : memref<64x128xf32, #tpu.memory_space<vmem>>) target(%dma_start3A_116 : memref<10016x128xf32, #tpu.memory_space<vmem_shared>>) offsets(%dma_start3A_113 : memref<64xi32, #tpu.memory_space<vmem>>) semaphore(%run_scoped3A : memref<!tpu.dma_semaphore, #tpu.memory_space<semaphore_mem>>) {add = true}
          %dma_wait3A_117 = arith.constant 0 : i32
          %dma_wait3A_118 = tpu.memref_slice %arg10[%mul3A_50, %dma_wait3A_117] : memref<160x64xi32, #tpu.memory_space<vmem>> -> memref<1x64xi32, #tpu.memory_space<vmem>>
          %dma_wait3A_119 = tpu.memref_squeeze %dma_wait3A_118 : memref<1x64xi32, #tpu.memory_space<vmem>> -> memref<64xi32, #tpu.memory_space<vmem>>
          %dma_wait3A_120 = arith.constant 0 : i32
          %dma_wait3A_121 = arith.constant 0 : i32
          %dma_wait3A_122 = tpu.memref_slice %arg16[%dma_wait3A_120, %dma_wait3A_121] : memref<10016x128xf32, #tpu.memory_space<vmem_shared>> -> memref<10016x128xf32, #tpu.memory_space<vmem_shared>>
          tpu.wait_indirect_dma semaphore(%run_scoped3A : memref<!tpu.dma_semaphore, #tpu.memory_space<semaphore_mem>>) src(%arg14 : memref<64x128xf32, #tpu.memory_space<vmem>>) dst(%dma_wait3A_122 : memref<10016x128xf32, #tpu.memory_space<vmem_shared>>)
          tpu.yield
        }) : () -> ()
        %dma_wait3A_79 = arith.constant 0 : i32
        %dma_wait3A_80 = arith.constant 0 : i32
        %dma_wait3A_81 = tpu.memref_slice %arg4[%dma_wait3A_79, %dma_wait3A_80] : memref<2560x64xi32, #tpu.memory_space<hbm>> -> memref<1x64xi32, #tpu.memory_space<hbm>>
        %dma_wait3A_82 = tpu.memref_squeeze %dma_wait3A_81 : memref<1x64xi32, #tpu.memory_space<hbm>> -> memref<64xi32, #tpu.memory_space<hbm>>
        %dma_wait3A_83 = arith.constant 0 : i32
        %dma_wait3A_84 = tpu.memref_slice %arg4[%dma_wait3A_79, %dma_wait3A_83] : memref<2560x64xi32, #tpu.memory_space<hbm>> -> memref<1x64xi32, #tpu.memory_space<hbm>>
        %dma_wait3A_85 = tpu.memref_squeeze %dma_wait3A_84 : memref<1x64xi32, #tpu.memory_space<hbm>> -> memref<64xi32, #tpu.memory_space<hbm>>
        tpu.wait_dma2 semaphore(%arg19 : memref<!tpu.dma_semaphore, #tpu.memory_space<semaphore_mem>>) src(%dma_wait3A_85 : memref<64xi32, #tpu.memory_space<hbm>>) dst(%arg11 : memref<64xi32, #tpu.memory_space<vmem>>)
        %dma_start3A_86 = arith.constant 0 : i32
        %dma_start3A_87 = arith.constant 0 : i32
        %dma_start3A_88 = tpu.memref_slice %arg2[%dma_start3A_86, %dma_start3A_87] : memref<10000x128xf32, #tpu.memory_space<hbm>> -> memref<10000x128xf32, #tpu.memory_space<hbm>>
        tpu.enqueue_indirect_dma source(%dma_start3A_88 : memref<10000x128xf32, #tpu.memory_space<hbm>>) target(%arg14 : memref<64x128xf32, #tpu.memory_space<vmem>>) offsets(%arg11 : memref<64xi32, #tpu.memory_space<vmem>>) semaphore(%arg17 : memref<!tpu.dma_semaphore, #tpu.memory_space<semaphore_mem>>)
        %dma_wait3A_89 = arith.constant 0 : i32
        %dma_wait3A_90 = arith.constant 0 : i32
        %dma_wait3A_91 = tpu.memref_slice %arg2[%dma_wait3A_89, %dma_wait3A_90] : memref<10000x128xf32, #tpu.memory_space<hbm>> -> memref<64x128xf32, #tpu.memory_space<hbm>>
        %dma_wait3A_92 = arith.constant 0 : i32
        %dma_wait3A_93 = arith.constant 0 : i32
        %dma_wait3A_94 = tpu.memref_slice %arg2[%dma_wait3A_92, %dma_wait3A_93] : memref<10000x128xf32, #tpu.memory_space<hbm>> -> memref<64x128xf32, #tpu.memory_space<hbm>>
        tpu.wait_dma2 semaphore(%arg18 : memref<!tpu.dma_semaphore, #tpu.memory_space<semaphore_mem>>) src(%dma_wait3A_94 : memref<64x128xf32, #tpu.memory_space<hbm>>) dst(%arg15 : memref<64x128xf32, #tpu.memory_space<vmem>>)
        %add3A_95 = arith.constant 1 : i32
        %add3A_96 = arith.addi %mul3A_50, %add3A_95 : i32
        "tpu.region"() ({
          %run_scoped3A = tpu.sem_alloc : memref<!tpu.dma_semaphore, #tpu.memory_space<semaphore_mem>>
          %dma_start3A_111 = arith.constant 0 : i32
          %dma_start3A_112 = tpu.memref_slice %arg10[%add3A_96, %dma_start3A_111] : memref<160x64xi32, #tpu.memory_space<vmem>> -> memref<1x64xi32, #tpu.memory_space<vmem>>
          %dma_start3A_113 = tpu.memref_squeeze %dma_start3A_112 : memref<1x64xi32, #tpu.memory_space<vmem>> -> memref<64xi32, #tpu.memory_space<vmem>>
          %dma_start3A_114 = arith.constant 0 : i32
          %dma_start3A_115 = arith.constant 0 : i32
          %dma_start3A_116 = tpu.memref_slice %arg16[%dma_start3A_114, %dma_start3A_115] : memref<10016x128xf32, #tpu.memory_space<vmem_shared>> -> memref<10016x128xf32, #tpu.memory_space<vmem_shared>>
          tpu.enqueue_indirect_dma source(%arg15 : memref<64x128xf32, #tpu.memory_space<vmem>>) target(%dma_start3A_116 : memref<10016x128xf32, #tpu.memory_space<vmem_shared>>) offsets(%dma_start3A_113 : memref<64xi32, #tpu.memory_space<vmem>>) semaphore(%run_scoped3A : memref<!tpu.dma_semaphore, #tpu.memory_space<semaphore_mem>>) {add = true}
          %dma_wait3A_117 = arith.constant 0 : i32
          %dma_wait3A_118 = tpu.memref_slice %arg10[%add3A_96, %dma_wait3A_117] : memref<160x64xi32, #tpu.memory_space<vmem>> -> memref<1x64xi32, #tpu.memory_space<vmem>>
          %dma_wait3A_119 = tpu.memref_squeeze %dma_wait3A_118 : memref<1x64xi32, #tpu.memory_space<vmem>> -> memref<64xi32, #tpu.memory_space<vmem>>
          %dma_wait3A_120 = arith.constant 0 : i32
          %dma_wait3A_121 = arith.constant 0 : i32
          %dma_wait3A_122 = tpu.memref_slice %arg16[%dma_wait3A_120, %dma_wait3A_121] : memref<10016x128xf32, #tpu.memory_space<vmem_shared>> -> memref<10016x128xf32, #tpu.memory_space<vmem_shared>>
          tpu.wait_indirect_dma semaphore(%run_scoped3A : memref<!tpu.dma_semaphore, #tpu.memory_space<semaphore_mem>>) src(%arg15 : memref<64x128xf32, #tpu.memory_space<vmem>>) dst(%dma_wait3A_122 : memref<10016x128xf32, #tpu.memory_space<vmem_shared>>)
          tpu.yield
        }) : () -> ()
        %add3A_97 = arith.constant 3 : i32
        %add3A_98 = arith.addi %mul3A_50, %add3A_97 : i32
        %lt3A_99 = arith.constant 160 : i32
        %lt3A_100 = arith.cmpi slt, %add3A_98, %lt3A_99 : i32
        %add3A_101 = arith.addi %mul3A_0, %mul3A_50 : i32
        %add3A_102 = arith.constant 3 : i32
        %add3A_103 = arith.addi %add3A_101, %add3A_102 : i32
        %select_n3A_104 = arith.select %lt3A_100, %add3A_103, %mul3A_0 : i32
        %dma_start3A_105 = arith.constant 0 : i32
        %dma_start3A_106 = tpu.memref_slice %arg4[%select_n3A_104, %dma_start3A_105] : memref<2560x64xi32, #tpu.memory_space<hbm>> -> memref<1x64xi32, #tpu.memory_space<hbm>>
        %dma_start3A_107 = tpu.memref_squeeze %dma_start3A_106 : memref<1x64xi32, #tpu.memory_space<hbm>> -> memref<64xi32, #tpu.memory_space<hbm>>
        %dma_start3A_108 = arith.constant 0 : i32
        %dma_start3A_109 = tpu.memref_slice %arg4[%select_n3A_104, %dma_start3A_108] : memref<2560x64xi32, #tpu.memory_space<hbm>> -> memref<1x64xi32, #tpu.memory_space<hbm>>
        %dma_start3A_110 = tpu.memref_squeeze %dma_start3A_109 : memref<1x64xi32, #tpu.memory_space<hbm>> -> memref<64xi32, #tpu.memory_space<hbm>>
        tpu.enqueue_dma source(%dma_start3A_110 : memref<64xi32, #tpu.memory_space<hbm>>) target(%arg12 : memref<64xi32, #tpu.memory_space<vmem>>) target_semaphore(%arg20 : memref<!tpu.dma_semaphore, #tpu.memory_space<semaphore_mem>>)
      }
      %scan3A_25 = arith.constant 80 : i32
      %dma_wait3A = arith.constant 0 : i32
      %dma_wait3A_26 = arith.constant 0 : i32
      %dma_wait3A_27 = tpu.memref_slice %arg2[%dma_wait3A, %dma_wait3A_26] : memref<10000x128xf32, #tpu.memory_space<hbm>> -> memref<64x128xf32, #tpu.memory_space<hbm>>
      %dma_wait3A_28 = arith.constant 0 : i32
      %dma_wait3A_29 = arith.constant 0 : i32
      %dma_wait3A_30 = tpu.memref_slice %arg2[%dma_wait3A_28, %dma_wait3A_29] : memref<10000x128xf32, #tpu.memory_space<hbm>> -> memref<64x128xf32, #tpu.memory_space<hbm>>
      tpu.wait_dma2 semaphore(%arg17 : memref<!tpu.dma_semaphore, #tpu.memory_space<semaphore_mem>>) src(%dma_wait3A_30 : memref<64x128xf32, #tpu.memory_space<hbm>>) dst(%arg14 : memref<64x128xf32, #tpu.memory_space<vmem>>)
      %dma_wait3A_31 = arith.constant 0 : i32
      %dma_wait3A_32 = arith.constant 0 : i32
      %dma_wait3A_33 = tpu.memref_slice %arg4[%dma_wait3A_31, %dma_wait3A_32] : memref<2560x64xi32, #tpu.memory_space<hbm>> -> memref<1x64xi32, #tpu.memory_space<hbm>>
      %dma_wait3A_34 = tpu.memref_squeeze %dma_wait3A_33 : memref<1x64xi32, #tpu.memory_space<hbm>> -> memref<64xi32, #tpu.memory_space<hbm>>
      %dma_wait3A_35 = arith.constant 0 : i32
      %dma_wait3A_36 = tpu.memref_slice %arg4[%dma_wait3A_31, %dma_wait3A_35] : memref<2560x64xi32, #tpu.memory_space<hbm>> -> memref<1x64xi32, #tpu.memory_space<hbm>>
      %dma_wait3A_37 = tpu.memref_squeeze %dma_wait3A_36 : memref<1x64xi32, #tpu.memory_space<hbm>> -> memref<64xi32, #tpu.memory_space<hbm>>
      tpu.wait_dma2 semaphore(%arg20 : memref<!tpu.dma_semaphore, #tpu.memory_space<semaphore_mem>>) src(%dma_wait3A_37 : memref<64xi32, #tpu.memory_space<hbm>>) dst(%arg12 : memref<64xi32, #tpu.memory_space<vmem>>)
      %barrier3A_38 = arith.constant 0 : index
      tpu.barrier barrier_id(%barrier3A_38)
      %scan3A_39 = arith.constant 0 : i32
      %scan3A_40 = arith.constant 10 : i32
      %scan3A_41 = arith.addi %scan3A_39, %scan3A_40 : i32
      %scan3A_42 = arith.constant 1 : i32
      scf.for %scan3A_44 = %scan3A_39 to %scan3A_41 step %scan3A_42  : i32 {
        %mul3A_45 = arith.constant 1 : i32
        %mul3A_46 = arith.muli %scan3A_44, %mul3A_45 : i32
        %add3A_47 = arith.constant 0 : i32
        %add3A_48 = arith.addi %add3A_47, %mul3A_46 : i32
        %mul3A_49 = arith.constant 640 : i32
        %mul3A_50 = arith.muli %arg1, %mul3A_49 : i32
        %mul3A_51 = arith.constant 64 : i32
        %mul3A_52 = arith.muli %add3A_48, %mul3A_51 : i32
        %add3A_53 = arith.addi %mul3A_50, %mul3A_52 : i32
        %multiple_of3A = tpu.assume_multiple %add3A_53, 8 : i32
        "tpu.region"() ({
          %run_scoped3A = tpu.sem_alloc : memref<!tpu.dma_semaphore, #tpu.memory_space<semaphore_mem>>
          %dma_start3A_54 = tpu.memref_slice %arg6[%multiple_of3A] : memref<10240xi32, #tpu.memory_space<hbm>> -> memref<64xi32, #tpu.memory_space<hbm>>
          %dma_start3A_55 = tpu.memref_slice %arg6[%multiple_of3A] : memref<10240xi32, #tpu.memory_space<hbm>> -> memref<64xi32, #tpu.memory_space<hbm>>
          tpu.enqueue_dma source(%dma_start3A_55 : memref<64xi32, #tpu.memory_space<hbm>>) target(%arg13 : memref<64xi32, #tpu.memory_space<vmem>>) target_semaphore(%run_scoped3A : memref<!tpu.dma_semaphore, #tpu.memory_space<semaphore_mem>>)
          %dma_wait3A_56 = tpu.memref_slice %arg6[%multiple_of3A] : memref<10240xi32, #tpu.memory_space<hbm>> -> memref<64xi32, #tpu.memory_space<hbm>>
          %dma_wait3A_57 = tpu.memref_slice %arg6[%multiple_of3A] : memref<10240xi32, #tpu.memory_space<hbm>> -> memref<64xi32, #tpu.memory_space<hbm>>
          tpu.wait_dma2 semaphore(%run_scoped3A : memref<!tpu.dma_semaphore, #tpu.memory_space<semaphore_mem>>) src(%dma_wait3A_57 : memref<64xi32, #tpu.memory_space<hbm>>) dst(%arg13 : memref<64xi32, #tpu.memory_space<vmem>>)
          tpu.yield
        }) : () -> ()
        "tpu.region"() ({
          %run_scoped3A = tpu.sem_alloc : memref<!tpu.dma_semaphore, #tpu.memory_space<semaphore_mem>>
          %dma_start3A_54 = arith.constant 0 : i32
          %dma_start3A_55 = arith.constant 0 : i32
          %dma_start3A_56 = tpu.memref_slice %arg16[%dma_start3A_54, %dma_start3A_55] : memref<10016x128xf32, #tpu.memory_space<vmem_shared>> -> memref<10016x128xf32, #tpu.memory_space<vmem_shared>>
          tpu.enqueue_indirect_dma source(%dma_start3A_56 : memref<10016x128xf32, #tpu.memory_space<vmem_shared>>) target(%arg15 : memref<64x128xf32, #tpu.memory_space<vmem>>) offsets(%arg13 : memref<64xi32, #tpu.memory_space<vmem>>) semaphore(%run_scoped3A : memref<!tpu.dma_semaphore, #tpu.memory_space<semaphore_mem>>)
          %dma_wait3A_57 = arith.constant 0 : i32
          %dma_wait3A_58 = arith.constant 0 : i32
          %dma_wait3A_59 = tpu.memref_slice %arg16[%dma_wait3A_57, %dma_wait3A_58] : memref<10016x128xf32, #tpu.memory_space<vmem_shared>> -> memref<10016x128xf32, #tpu.memory_space<vmem_shared>>
          tpu.wait_indirect_dma semaphore(%run_scoped3A : memref<!tpu.dma_semaphore, #tpu.memory_space<semaphore_mem>>) src(%dma_wait3A_59 : memref<10016x128xf32, #tpu.memory_space<vmem_shared>>) dst(%arg15 : memref<64x128xf32, #tpu.memory_space<vmem>>)
          tpu.yield
        }) : () -> ()
        "tpu.region"() ({
          %run_scoped3A = tpu.sem_alloc : memref<!tpu.dma_semaphore, #tpu.memory_space<semaphore_mem>>
          %dma_start3A_54 = arith.constant 0 : i32
          %dma_start3A_55 = tpu.memref_slice %arg8[%multiple_of3A, %dma_start3A_54] : memref<10240x128xf32, #tpu.memory_space<hbm>> -> memref<64x128xf32, #tpu.memory_space<hbm>>
          %dma_start3A_56 = arith.constant 0 : i32
          %dma_start3A_57 = tpu.memref_slice %arg8[%multiple_of3A, %dma_start3A_56] : memref<10240x128xf32, #tpu.memory_space<hbm>> -> memref<64x128xf32, #tpu.memory_space<hbm>>
          tpu.enqueue_dma source(%arg15 : memref<64x128xf32, #tpu.memory_space<vmem>>) target(%dma_start3A_57 : memref<64x128xf32, #tpu.memory_space<hbm>>) target_semaphore(%run_scoped3A : memref<!tpu.dma_semaphore, #tpu.memory_space<semaphore_mem>>)
          %dma_wait3A_58 = arith.constant 0 : i32
          %dma_wait3A_59 = tpu.memref_slice %arg8[%multiple_of3A, %dma_wait3A_58] : memref<10240x128xf32, #tpu.memory_space<hbm>> -> memref<64x128xf32, #tpu.memory_space<hbm>>
          %dma_wait3A_60 = arith.constant 0 : i32
          %dma_wait3A_61 = tpu.memref_slice %arg8[%multiple_of3A, %dma_wait3A_60] : memref<10240x128xf32, #tpu.memory_space<hbm>> -> memref<64x128xf32, #tpu.memory_space<hbm>>
          tpu.wait_dma2 semaphore(%run_scoped3A : memref<!tpu.dma_semaphore, #tpu.memory_space<semaphore_mem>>) src(%arg15 : memref<64x128xf32, #tpu.memory_space<vmem>>) dst(%dma_wait3A_61 : memref<64x128xf32, #tpu.memory_space<hbm>>)
          tpu.yield
        }) : () -> ()
      }
      %scan3A_43 = arith.constant 10 : i32
    } else {
    }
    %eq3A_3 = arith.constant 1 : i32
    %eq3A_4 = arith.cmpi eq, %arg0, %eq3A_3 : i32
    %convert_element_type3A_5 = arith.extui %eq3A_4 : i1 to i32
    %cond3A_6 = arith.constant 0 : i32
    %cond3A_7 = arith.cmpi ne, %convert_element_type3A_5, %cond3A_6 : i32
    scf.if %cond3A_7 {
      "tpu.region"() ({
        %run_scoped3A = tpu.sem_alloc : memref<!tpu.dma_semaphore, #tpu.memory_space<semaphore_mem>>
        tpu.enqueue_dma source(%arg7 : memref<64x128xf32, #tpu.memory_space<hbm>>) target(%arg14 : memref<64x128xf32, #tpu.memory_space<vmem>>) target_semaphore(%run_scoped3A : memref<!tpu.dma_semaphore, #tpu.memory_space<semaphore_mem>>)
        tpu.wait_dma2 semaphore(%run_scoped3A : memref<!tpu.dma_semaphore, #tpu.memory_space<semaphore_mem>>) src(%arg7 : memref<64x128xf32, #tpu.memory_space<hbm>>) dst(%arg14 : memref<64x128xf32, #tpu.memory_space<vmem>>)
        tpu.yield
      }) : () -> ()
      "tpu.region"() ({
        %run_scoped3A = tpu.sem_alloc : memref<!tpu.dma_semaphore, #tpu.memory_space<semaphore_mem>>
        %dma_start3A_44 = arith.constant 0 : i32
        %dma_start3A_45 = tpu.memref_slice %arg5[%mul3A_0, %dma_start3A_44] : memref<2560x64xi32, #tpu.memory_space<hbm>> -> memref<160x64xi32, #tpu.memory_space<hbm>>
        %dma_start3A_46 = arith.constant 0 : i32
        %dma_start3A_47 = tpu.memref_slice %arg5[%mul3A_0, %dma_start3A_46] : memref<2560x64xi32, #tpu.memory_space<hbm>> -> memref<160x64xi32, #tpu.memory_space<hbm>>
        tpu.enqueue_dma source(%dma_start3A_47 : memref<160x64xi32, #tpu.memory_space<hbm>>) target(%arg10 : memref<160x64xi32, #tpu.memory_space<vmem>>) target_semaphore(%run_scoped3A : memref<!tpu.dma_semaphore, #tpu.memory_space<semaphore_mem>>)
        %dma_wait3A_48 = arith.constant 0 : i32
        %dma_wait3A_49 = tpu.memref_slice %arg5[%mul3A_0, %dma_wait3A_48] : memref<2560x64xi32, #tpu.memory_space<hbm>> -> memref<160x64xi32, #tpu.memory_space<hbm>>
        %dma_wait3A_50 = arith.constant 0 : i32
        %dma_wait3A_51 = tpu.memref_slice %arg5[%mul3A_0, %dma_wait3A_50] : memref<2560x64xi32, #tpu.memory_space<hbm>> -> memref<160x64xi32, #tpu.memory_space<hbm>>
        tpu.wait_dma2 semaphore(%run_scoped3A : memref<!tpu.dma_semaphore, #tpu.memory_space<semaphore_mem>>) src(%dma_wait3A_51 : memref<160x64xi32, #tpu.memory_space<hbm>>) dst(%arg10 : memref<160x64xi32, #tpu.memory_space<vmem>>)
        tpu.yield
      }) : () -> ()
      %scan3A = arith.constant 0 : i32
      %scan3A_8 = arith.constant 10 : i32
      %scan3A_9 = arith.addi %scan3A, %scan3A_8 : i32
      %scan3A_10 = arith.constant 1 : i32
      scf.for %scan3A_44 = %scan3A to %scan3A_9 step %scan3A_10  : i32 {
        %mul3A_45 = arith.constant 1 : i32
        %mul3A_46 = arith.muli %scan3A_44, %mul3A_45 : i32
        %add3A_47 = arith.constant 0 : i32
        %add3A_48 = arith.addi %add3A_47, %mul3A_46 : i32
        %mul3A_49 = arith.constant 640 : i32
        %mul3A_50 = arith.muli %arg1, %mul3A_49 : i32
        %mul3A_51 = arith.constant 64 : i32
        %mul3A_52 = arith.muli %add3A_48, %mul3A_51 : i32
        %add3A_53 = arith.addi %mul3A_50, %mul3A_52 : i32
        %multiple_of3A = tpu.assume_multiple %add3A_53, 8 : i32
        "tpu.region"() ({
          %run_scoped3A = tpu.sem_alloc : memref<!tpu.dma_semaphore, #tpu.memory_space<semaphore_mem>>
          %dma_start3A_54 = tpu.memref_slice %arg6[%multiple_of3A] : memref<10240xi32, #tpu.memory_space<hbm>> -> memref<64xi32, #tpu.memory_space<hbm>>
          %dma_start3A_55 = tpu.memref_slice %arg6[%multiple_of3A] : memref<10240xi32, #tpu.memory_space<hbm>> -> memref<64xi32, #tpu.memory_space<hbm>>
          tpu.enqueue_dma source(%dma_start3A_55 : memref<64xi32, #tpu.memory_space<hbm>>) target(%arg13 : memref<64xi32, #tpu.memory_space<vmem>>) target_semaphore(%run_scoped3A : memref<!tpu.dma_semaphore, #tpu.memory_space<semaphore_mem>>)
          %dma_wait3A_56 = tpu.memref_slice %arg6[%multiple_of3A] : memref<10240xi32, #tpu.memory_space<hbm>> -> memref<64xi32, #tpu.memory_space<hbm>>
          %dma_wait3A_57 = tpu.memref_slice %arg6[%multiple_of3A] : memref<10240xi32, #tpu.memory_space<hbm>> -> memref<64xi32, #tpu.memory_space<hbm>>
          tpu.wait_dma2 semaphore(%run_scoped3A : memref<!tpu.dma_semaphore, #tpu.memory_space<semaphore_mem>>) src(%dma_wait3A_57 : memref<64xi32, #tpu.memory_space<hbm>>) dst(%arg13 : memref<64xi32, #tpu.memory_space<vmem>>)
          tpu.yield
        }) : () -> ()
        "tpu.region"() ({
          %run_scoped3A = tpu.sem_alloc : memref<!tpu.dma_semaphore, #tpu.memory_space<semaphore_mem>>
          %dma_start3A_54 = arith.constant 0 : i32
          %dma_start3A_55 = arith.constant 0 : i32
          %dma_start3A_56 = tpu.memref_slice %arg16[%dma_start3A_54, %dma_start3A_55] : memref<10016x128xf32, #tpu.memory_space<vmem_shared>> -> memref<10016x128xf32, #tpu.memory_space<vmem_shared>>
          tpu.enqueue_indirect_dma source(%arg14 : memref<64x128xf32, #tpu.memory_space<vmem>>) target(%dma_start3A_56 : memref<10016x128xf32, #tpu.memory_space<vmem_shared>>) offsets(%arg13 : memref<64xi32, #tpu.memory_space<vmem>>) semaphore(%run_scoped3A : memref<!tpu.dma_semaphore, #tpu.memory_space<semaphore_mem>>)
          %dma_wait3A_57 = arith.constant 0 : i32
          %dma_wait3A_58 = arith.constant 0 : i32
          %dma_wait3A_59 = tpu.memref_slice %arg16[%dma_wait3A_57, %dma_wait3A_58] : memref<10016x128xf32, #tpu.memory_space<vmem_shared>> -> memref<10016x128xf32, #tpu.memory_space<vmem_shared>>
          tpu.wait_indirect_dma semaphore(%run_scoped3A : memref<!tpu.dma_semaphore, #tpu.memory_space<semaphore_mem>>) src(%arg14 : memref<64x128xf32, #tpu.memory_space<vmem>>) dst(%dma_wait3A_59 : memref<10016x128xf32, #tpu.memory_space<vmem_shared>>)
          tpu.yield
        }) : () -> ()
      }
      %scan3A_11 = arith.constant 10 : i32
      %barrier3A = arith.constant 0 : index
      tpu.barrier barrier_id(%barrier3A)
      "tpu.region"() ({
        %run_scoped3A = tpu.sem_alloc : memref<!tpu.dma_semaphore, #tpu.memory_space<semaphore_mem>>
        %dma_start3A_44 = arith.constant 0 : i32
        %dma_start3A_45 = tpu.memref_slice %arg4[%mul3A_0, %dma_start3A_44] : memref<2560x64xi32, #tpu.memory_space<hbm>> -> memref<1x64xi32, #tpu.memory_space<hbm>>
        %dma_start3A_46 = tpu.memref_squeeze %dma_start3A_45 : memref<1x64xi32, #tpu.memory_space<hbm>> -> memref<64xi32, #tpu.memory_space<hbm>>
        %dma_start3A_47 = arith.constant 0 : i32
        %dma_start3A_48 = tpu.memref_slice %arg4[%mul3A_0, %dma_start3A_47] : memref<2560x64xi32, #tpu.memory_space<hbm>> -> memref<1x64xi32, #tpu.memory_space<hbm>>
        %dma_start3A_49 = tpu.memref_squeeze %dma_start3A_48 : memref<1x64xi32, #tpu.memory_space<hbm>> -> memref<64xi32, #tpu.memory_space<hbm>>
        tpu.enqueue_dma source(%dma_start3A_49 : memref<64xi32, #tpu.memory_space<hbm>>) target(%arg11 : memref<64xi32, #tpu.memory_space<vmem>>) target_semaphore(%run_scoped3A : memref<!tpu.dma_semaphore, #tpu.memory_space<semaphore_mem>>)
        %dma_wait3A_50 = arith.constant 0 : i32
        %dma_wait3A_51 = tpu.memref_slice %arg4[%mul3A_0, %dma_wait3A_50] : memref<2560x64xi32, #tpu.memory_space<hbm>> -> memref<1x64xi32, #tpu.memory_space<hbm>>
        %dma_wait3A_52 = tpu.memref_squeeze %dma_wait3A_51 : memref<1x64xi32, #tpu.memory_space<hbm>> -> memref<64xi32, #tpu.memory_space<hbm>>
        %dma_wait3A_53 = arith.constant 0 : i32
        %dma_wait3A_54 = tpu.memref_slice %arg4[%mul3A_0, %dma_wait3A_53] : memref<2560x64xi32, #tpu.memory_space<hbm>> -> memref<1x64xi32, #tpu.memory_space<hbm>>
        %dma_wait3A_55 = tpu.memref_squeeze %dma_wait3A_54 : memref<1x64xi32, #tpu.memory_space<hbm>> -> memref<64xi32, #tpu.memory_space<hbm>>
        tpu.wait_dma2 semaphore(%run_scoped3A : memref<!tpu.dma_semaphore, #tpu.memory_space<semaphore_mem>>) src(%dma_wait3A_55 : memref<64xi32, #tpu.memory_space<hbm>>) dst(%arg11 : memref<64xi32, #tpu.memory_space<vmem>>)
        tpu.yield
      }) : () -> ()
      %dma_start3A = arith.constant 0 : i32
      %dma_start3A_12 = arith.constant 0 : i32
      %dma_start3A_13 = tpu.memref_slice %arg3[%dma_start3A, %dma_start3A_12] : memref<10000x128xf32, #tpu.memory_space<hbm>> -> memref<10000x128xf32, #tpu.memory_space<hbm>>
      tpu.enqueue_indirect_dma source(%dma_start3A_13 : memref<10000x128xf32, #tpu.memory_space<hbm>>) target(%arg14 : memref<64x128xf32, #tpu.memory_space<vmem>>) offsets(%arg11 : memref<64xi32, #tpu.memory_space<vmem>>) semaphore(%arg17 : memref<!tpu.dma_semaphore, #tpu.memory_space<semaphore_mem>>)
      %add3A = arith.constant 1 : i32
      %add3A_14 = arith.addi %mul3A_0, %add3A : i32
      %dma_start3A_15 = arith.constant 0 : i32
      %dma_start3A_16 = tpu.memref_slice %arg4[%add3A_14, %dma_start3A_15] : memref<2560x64xi32, #tpu.memory_space<hbm>> -> memref<1x64xi32, #tpu.memory_space<hbm>>
      %dma_start3A_17 = tpu.memref_squeeze %dma_start3A_16 : memref<1x64xi32, #tpu.memory_space<hbm>> -> memref<64xi32, #tpu.memory_space<hbm>>
      %dma_start3A_18 = arith.constant 0 : i32
      %dma_start3A_19 = tpu.memref_slice %arg4[%add3A_14, %dma_start3A_18] : memref<2560x64xi32, #tpu.memory_space<hbm>> -> memref<1x64xi32, #tpu.memory_space<hbm>>
      %dma_start3A_20 = tpu.memref_squeeze %dma_start3A_19 : memref<1x64xi32, #tpu.memory_space<hbm>> -> memref<64xi32, #tpu.memory_space<hbm>>
      tpu.enqueue_dma source(%dma_start3A_20 : memref<64xi32, #tpu.memory_space<hbm>>) target(%arg12 : memref<64xi32, #tpu.memory_space<vmem>>) target_semaphore(%arg20 : memref<!tpu.dma_semaphore, #tpu.memory_space<semaphore_mem>>)
      %scan3A_21 = arith.constant 0 : i32
      %scan3A_22 = arith.constant 80 : i32
      %scan3A_23 = arith.addi %scan3A_21, %scan3A_22 : i32
      %scan3A_24 = arith.constant 1 : i32
      scf.for %scan3A_44 = %scan3A_21 to %scan3A_23 step %scan3A_24  : i32 {
        %mul3A_45 = arith.constant 1 : i32
        %mul3A_46 = arith.muli %scan3A_44, %mul3A_45 : i32
        %add3A_47 = arith.constant 0 : i32
        %add3A_48 = arith.addi %add3A_47, %mul3A_46 : i32
        %mul3A_49 = arith.constant 2 : i32
        %mul3A_50 = arith.muli %add3A_48, %mul3A_49 : i32
        %dma_wait3A_51 = arith.constant 0 : i32
        %dma_wait3A_52 = arith.constant 0 : i32
        %dma_wait3A_53 = tpu.memref_slice %arg3[%dma_wait3A_51, %dma_wait3A_52] : memref<10000x128xf32, #tpu.memory_space<hbm>> -> memref<64x128xf32, #tpu.memory_space<hbm>>
        %dma_wait3A_54 = arith.constant 0 : i32
        %dma_wait3A_55 = arith.constant 0 : i32
        %dma_wait3A_56 = tpu.memref_slice %arg3[%dma_wait3A_54, %dma_wait3A_55] : memref<10000x128xf32, #tpu.memory_space<hbm>> -> memref<64x128xf32, #tpu.memory_space<hbm>>
        tpu.wait_dma2 semaphore(%arg17 : memref<!tpu.dma_semaphore, #tpu.memory_space<semaphore_mem>>) src(%dma_wait3A_56 : memref<64x128xf32, #tpu.memory_space<hbm>>) dst(%arg14 : memref<64x128xf32, #tpu.memory_space<vmem>>)
        %add3A_57 = arith.constant 2 : i32
        %add3A_58 = arith.addi %mul3A_50, %add3A_57 : i32
        %lt3A = arith.constant 160 : i32
        %lt3A_59 = arith.cmpi slt, %add3A_58, %lt3A : i32
        %add3A_60 = arith.addi %mul3A_0, %mul3A_50 : i32
        %add3A_61 = arith.constant 2 : i32
        %add3A_62 = arith.addi %add3A_60, %add3A_61 : i32
        %select_n3A = arith.select %lt3A_59, %add3A_62, %mul3A_0 : i32
        %dma_start3A_63 = arith.constant 0 : i32
        %dma_start3A_64 = tpu.memref_slice %arg4[%select_n3A, %dma_start3A_63] : memref<2560x64xi32, #tpu.memory_space<hbm>> -> memref<1x64xi32, #tpu.memory_space<hbm>>
        %dma_start3A_65 = tpu.memref_squeeze %dma_start3A_64 : memref<1x64xi32, #tpu.memory_space<hbm>> -> memref<64xi32, #tpu.memory_space<hbm>>
        %dma_start3A_66 = arith.constant 0 : i32
        %dma_start3A_67 = tpu.memref_slice %arg4[%select_n3A, %dma_start3A_66] : memref<2560x64xi32, #tpu.memory_space<hbm>> -> memref<1x64xi32, #tpu.memory_space<hbm>>
        %dma_start3A_68 = tpu.memref_squeeze %dma_start3A_67 : memref<1x64xi32, #tpu.memory_space<hbm>> -> memref<64xi32, #tpu.memory_space<hbm>>
        tpu.enqueue_dma source(%dma_start3A_68 : memref<64xi32, #tpu.memory_space<hbm>>) target(%arg11 : memref<64xi32, #tpu.memory_space<vmem>>) target_semaphore(%arg19 : memref<!tpu.dma_semaphore, #tpu.memory_space<semaphore_mem>>)
        %dma_wait3A_69 = arith.constant 0 : i32
        %dma_wait3A_70 = arith.constant 0 : i32
        %dma_wait3A_71 = tpu.memref_slice %arg4[%dma_wait3A_69, %dma_wait3A_70] : memref<2560x64xi32, #tpu.memory_space<hbm>> -> memref<1x64xi32, #tpu.memory_space<hbm>>
        %dma_wait3A_72 = tpu.memref_squeeze %dma_wait3A_71 : memref<1x64xi32, #tpu.memory_space<hbm>> -> memref<64xi32, #tpu.memory_space<hbm>>
        %dma_wait3A_73 = arith.constant 0 : i32
        %dma_wait3A_74 = tpu.memref_slice %arg4[%dma_wait3A_69, %dma_wait3A_73] : memref<2560x64xi32, #tpu.memory_space<hbm>> -> memref<1x64xi32, #tpu.memory_space<hbm>>
        %dma_wait3A_75 = tpu.memref_squeeze %dma_wait3A_74 : memref<1x64xi32, #tpu.memory_space<hbm>> -> memref<64xi32, #tpu.memory_space<hbm>>
        tpu.wait_dma2 semaphore(%arg20 : memref<!tpu.dma_semaphore, #tpu.memory_space<semaphore_mem>>) src(%dma_wait3A_75 : memref<64xi32, #tpu.memory_space<hbm>>) dst(%arg12 : memref<64xi32, #tpu.memory_space<vmem>>)
        %dma_start3A_76 = arith.constant 0 : i32
        %dma_start3A_77 = arith.constant 0 : i32
        %dma_start3A_78 = tpu.memref_slice %arg3[%dma_start3A_76, %dma_start3A_77] : memref<10000x128xf32, #tpu.memory_space<hbm>> -> memref<10000x128xf32, #tpu.memory_space<hbm>>
        tpu.enqueue_indirect_dma source(%dma_start3A_78 : memref<10000x128xf32, #tpu.memory_space<hbm>>) target(%arg15 : memref<64x128xf32, #tpu.memory_space<vmem>>) offsets(%arg12 : memref<64xi32, #tpu.memory_space<vmem>>) semaphore(%arg18 : memref<!tpu.dma_semaphore, #tpu.memory_space<semaphore_mem>>)
        "tpu.region"() ({
          %run_scoped3A = tpu.sem_alloc : memref<!tpu.dma_semaphore, #tpu.memory_space<semaphore_mem>>
          %dma_start3A_111 = arith.constant 0 : i32
          %dma_start3A_112 = tpu.memref_slice %arg10[%mul3A_50, %dma_start3A_111] : memref<160x64xi32, #tpu.memory_space<vmem>> -> memref<1x64xi32, #tpu.memory_space<vmem>>
          %dma_start3A_113 = tpu.memref_squeeze %dma_start3A_112 : memref<1x64xi32, #tpu.memory_space<vmem>> -> memref<64xi32, #tpu.memory_space<vmem>>
          %dma_start3A_114 = arith.constant 0 : i32
          %dma_start3A_115 = arith.constant 0 : i32
          %dma_start3A_116 = tpu.memref_slice %arg16[%dma_start3A_114, %dma_start3A_115] : memref<10016x128xf32, #tpu.memory_space<vmem_shared>> -> memref<10016x128xf32, #tpu.memory_space<vmem_shared>>
          tpu.enqueue_indirect_dma source(%arg14 : memref<64x128xf32, #tpu.memory_space<vmem>>) target(%dma_start3A_116 : memref<10016x128xf32, #tpu.memory_space<vmem_shared>>) offsets(%dma_start3A_113 : memref<64xi32, #tpu.memory_space<vmem>>) semaphore(%run_scoped3A : memref<!tpu.dma_semaphore, #tpu.memory_space<semaphore_mem>>) {add = true}
          %dma_wait3A_117 = arith.constant 0 : i32
          %dma_wait3A_118 = tpu.memref_slice %arg10[%mul3A_50, %dma_wait3A_117] : memref<160x64xi32, #tpu.memory_space<vmem>> -> memref<1x64xi32, #tpu.memory_space<vmem>>
          %dma_wait3A_119 = tpu.memref_squeeze %dma_wait3A_118 : memref<1x64xi32, #tpu.memory_space<vmem>> -> memref<64xi32, #tpu.memory_space<vmem>>
          %dma_wait3A_120 = arith.constant 0 : i32
          %dma_wait3A_121 = arith.constant 0 : i32
          %dma_wait3A_122 = tpu.memref_slice %arg16[%dma_wait3A_120, %dma_wait3A_121] : memref<10016x128xf32, #tpu.memory_space<vmem_shared>> -> memref<10016x128xf32, #tpu.memory_space<vmem_shared>>
          tpu.wait_indirect_dma semaphore(%run_scoped3A : memref<!tpu.dma_semaphore, #tpu.memory_space<semaphore_mem>>) src(%arg14 : memref<64x128xf32, #tpu.memory_space<vmem>>) dst(%dma_wait3A_122 : memref<10016x128xf32, #tpu.memory_space<vmem_shared>>)
          tpu.yield
        }) : () -> ()
        %dma_wait3A_79 = arith.constant 0 : i32
        %dma_wait3A_80 = arith.constant 0 : i32
        %dma_wait3A_81 = tpu.memref_slice %arg4[%dma_wait3A_79, %dma_wait3A_80] : memref<2560x64xi32, #tpu.memory_space<hbm>> -> memref<1x64xi32, #tpu.memory_space<hbm>>
        %dma_wait3A_82 = tpu.memref_squeeze %dma_wait3A_81 : memref<1x64xi32, #tpu.memory_space<hbm>> -> memref<64xi32, #tpu.memory_space<hbm>>
        %dma_wait3A_83 = arith.constant 0 : i32
        %dma_wait3A_84 = tpu.memref_slice %arg4[%dma_wait3A_79, %dma_wait3A_83] : memref<2560x64xi32, #tpu.memory_space<hbm>> -> memref<1x64xi32, #tpu.memory_space<hbm>>
        %dma_wait3A_85 = tpu.memref_squeeze %dma_wait3A_84 : memref<1x64xi32, #tpu.memory_space<hbm>> -> memref<64xi32, #tpu.memory_space<hbm>>
        tpu.wait_dma2 semaphore(%arg19 : memref<!tpu.dma_semaphore, #tpu.memory_space<semaphore_mem>>) src(%dma_wait3A_85 : memref<64xi32, #tpu.memory_space<hbm>>) dst(%arg11 : memref<64xi32, #tpu.memory_space<vmem>>)
        %dma_start3A_86 = arith.constant 0 : i32
        %dma_start3A_87 = arith.constant 0 : i32
        %dma_start3A_88 = tpu.memref_slice %arg3[%dma_start3A_86, %dma_start3A_87] : memref<10000x128xf32, #tpu.memory_space<hbm>> -> memref<10000x128xf32, #tpu.memory_space<hbm>>
        tpu.enqueue_indirect_dma source(%dma_start3A_88 : memref<10000x128xf32, #tpu.memory_space<hbm>>) target(%arg14 : memref<64x128xf32, #tpu.memory_space<vmem>>) offsets(%arg11 : memref<64xi32, #tpu.memory_space<vmem>>) semaphore(%arg17 : memref<!tpu.dma_semaphore, #tpu.memory_space<semaphore_mem>>)
        %dma_wait3A_89 = arith.constant 0 : i32
        %dma_wait3A_90 = arith.constant 0 : i32
        %dma_wait3A_91 = tpu.memref_slice %arg3[%dma_wait3A_89, %dma_wait3A_90] : memref<10000x128xf32, #tpu.memory_space<hbm>> -> memref<64x128xf32, #tpu.memory_space<hbm>>
        %dma_wait3A_92 = arith.constant 0 : i32
        %dma_wait3A_93 = arith.constant 0 : i32
        %dma_wait3A_94 = tpu.memref_slice %arg3[%dma_wait3A_92, %dma_wait3A_93] : memref<10000x128xf32, #tpu.memory_space<hbm>> -> memref<64x128xf32, #tpu.memory_space<hbm>>
        tpu.wait_dma2 semaphore(%arg18 : memref<!tpu.dma_semaphore, #tpu.memory_space<semaphore_mem>>) src(%dma_wait3A_94 : memref<64x128xf32, #tpu.memory_space<hbm>>) dst(%arg15 : memref<64x128xf32, #tpu.memory_space<vmem>>)
        %add3A_95 = arith.constant 1 : i32
        %add3A_96 = arith.addi %mul3A_50, %add3A_95 : i32
        "tpu.region"() ({
          %run_scoped3A = tpu.sem_alloc : memref<!tpu.dma_semaphore, #tpu.memory_space<semaphore_mem>>
          %dma_start3A_111 = arith.constant 0 : i32
          %dma_start3A_112 = tpu.memref_slice %arg10[%add3A_96, %dma_start3A_111] : memref<160x64xi32, #tpu.memory_space<vmem>> -> memref<1x64xi32, #tpu.memory_space<vmem>>
          %dma_start3A_113 = tpu.memref_squeeze %dma_start3A_112 : memref<1x64xi32, #tpu.memory_space<vmem>> -> memref<64xi32, #tpu.memory_space<vmem>>
          %dma_start3A_114 = arith.constant 0 : i32
          %dma_start3A_115 = arith.constant 0 : i32
          %dma_start3A_116 = tpu.memref_slice %arg16[%dma_start3A_114, %dma_start3A_115] : memref<10016x128xf32, #tpu.memory_space<vmem_shared>> -> memref<10016x128xf32, #tpu.memory_space<vmem_shared>>
          tpu.enqueue_indirect_dma source(%arg15 : memref<64x128xf32, #tpu.memory_space<vmem>>) target(%dma_start3A_116 : memref<10016x128xf32, #tpu.memory_space<vmem_shared>>) offsets(%dma_start3A_113 : memref<64xi32, #tpu.memory_space<vmem>>) semaphore(%run_scoped3A : memref<!tpu.dma_semaphore, #tpu.memory_space<semaphore_mem>>) {add = true}
          %dma_wait3A_117 = arith.constant 0 : i32
          %dma_wait3A_118 = tpu.memref_slice %arg10[%add3A_96, %dma_wait3A_117] : memref<160x64xi32, #tpu.memory_space<vmem>> -> memref<1x64xi32, #tpu.memory_space<vmem>>
          %dma_wait3A_119 = tpu.memref_squeeze %dma_wait3A_118 : memref<1x64xi32, #tpu.memory_space<vmem>> -> memref<64xi32, #tpu.memory_space<vmem>>
          %dma_wait3A_120 = arith.constant 0 : i32
          %dma_wait3A_121 = arith.constant 0 : i32
          %dma_wait3A_122 = tpu.memref_slice %arg16[%dma_wait3A_120, %dma_wait3A_121] : memref<10016x128xf32, #tpu.memory_space<vmem_shared>> -> memref<10016x128xf32, #tpu.memory_space<vmem_shared>>
          tpu.wait_indirect_dma semaphore(%run_scoped3A : memref<!tpu.dma_semaphore, #tpu.memory_space<semaphore_mem>>) src(%arg15 : memref<64x128xf32, #tpu.memory_space<vmem>>) dst(%dma_wait3A_122 : memref<10016x128xf32, #tpu.memory_space<vmem_shared>>)
          tpu.yield
        }) : () -> ()
        %add3A_97 = arith.constant 3 : i32
        %add3A_98 = arith.addi %mul3A_50, %add3A_97 : i32
        %lt3A_99 = arith.constant 160 : i32
        %lt3A_100 = arith.cmpi slt, %add3A_98, %lt3A_99 : i32
        %add3A_101 = arith.addi %mul3A_0, %mul3A_50 : i32
        %add3A_102 = arith.constant 3 : i32
        %add3A_103 = arith.addi %add3A_101, %add3A_102 : i32
        %select_n3A_104 = arith.select %lt3A_100, %add3A_103, %mul3A_0 : i32
        %dma_start3A_105 = arith.constant 0 : i32
        %dma_start3A_106 = tpu.memref_slice %arg4[%select_n3A_104, %dma_start3A_105] : memref<2560x64xi32, #tpu.memory_space<hbm>> -> memref<1x64xi32, #tpu.memory_space<hbm>>
        %dma_start3A_107 = tpu.memref_squeeze %dma_start3A_106 : memref<1x64xi32, #tpu.memory_space<hbm>> -> memref<64xi32, #tpu.memory_space<hbm>>
        %dma_start3A_108 = arith.constant 0 : i32
        %dma_start3A_109 = tpu.memref_slice %arg4[%select_n3A_104, %dma_start3A_108] : memref<2560x64xi32, #tpu.memory_space<hbm>> -> memref<1x64xi32, #tpu.memory_space<hbm>>
        %dma_start3A_110 = tpu.memref_squeeze %dma_start3A_109 : memref<1x64xi32, #tpu.memory_space<hbm>> -> memref<64xi32, #tpu.memory_space<hbm>>
        tpu.enqueue_dma source(%dma_start3A_110 : memref<64xi32, #tpu.memory_space<hbm>>) target(%arg12 : memref<64xi32, #tpu.memory_space<vmem>>) target_semaphore(%arg20 : memref<!tpu.dma_semaphore, #tpu.memory_space<semaphore_mem>>)
      }
      %scan3A_25 = arith.constant 80 : i32
      %dma_wait3A = arith.constant 0 : i32
      %dma_wait3A_26 = arith.constant 0 : i32
      %dma_wait3A_27 = tpu.memref_slice %arg3[%dma_wait3A, %dma_wait3A_26] : memref<10000x128xf32, #tpu.memory_space<hbm>> -> memref<64x128xf32, #tpu.memory_space<hbm>>
      %dma_wait3A_28 = arith.constant 0 : i32
      %dma_wait3A_29 = arith.constant 0 : i32
      %dma_wait3A_30 = tpu.memref_slice %arg3[%dma_wait3A_28, %dma_wait3A_29] : memref<10000x128xf32, #tpu.memory_space<hbm>> -> memref<64x128xf32, #tpu.memory_space<hbm>>
      tpu.wait_dma2 semaphore(%arg17 : memref<!tpu.dma_semaphore, #tpu.memory_space<semaphore_mem>>) src(%dma_wait3A_30 : memref<64x128xf32, #tpu.memory_space<hbm>>) dst(%arg14 : memref<64x128xf32, #tpu.memory_space<vmem>>)
      %dma_wait3A_31 = arith.constant 0 : i32
      %dma_wait3A_32 = arith.constant 0 : i32
      %dma_wait3A_33 = tpu.memref_slice %arg4[%dma_wait3A_31, %dma_wait3A_32] : memref<2560x64xi32, #tpu.memory_space<hbm>> -> memref<1x64xi32, #tpu.memory_space<hbm>>
      %dma_wait3A_34 = tpu.memref_squeeze %dma_wait3A_33 : memref<1x64xi32, #tpu.memory_space<hbm>> -> memref<64xi32, #tpu.memory_space<hbm>>
      %dma_wait3A_35 = arith.constant 0 : i32
      %dma_wait3A_36 = tpu.memref_slice %arg4[%dma_wait3A_31, %dma_wait3A_35] : memref<2560x64xi32, #tpu.memory_space<hbm>> -> memref<1x64xi32, #tpu.memory_space<hbm>>
      %dma_wait3A_37 = tpu.memref_squeeze %dma_wait3A_36 : memref<1x64xi32, #tpu.memory_space<hbm>> -> memref<64xi32, #tpu.memory_space<hbm>>
      tpu.wait_dma2 semaphore(%arg20 : memref<!tpu.dma_semaphore, #tpu.memory_space<semaphore_mem>>) src(%dma_wait3A_37 : memref<64xi32, #tpu.memory_space<hbm>>) dst(%arg12 : memref<64xi32, #tpu.memory_space<vmem>>)
      %barrier3A_38 = arith.constant 0 : index
      tpu.barrier barrier_id(%barrier3A_38)
      %scan3A_39 = arith.constant 0 : i32
      %scan3A_40 = arith.constant 10 : i32
      %scan3A_41 = arith.addi %scan3A_39, %scan3A_40 : i32
      %scan3A_42 = arith.constant 1 : i32
      scf.for %scan3A_44 = %scan3A_39 to %scan3A_41 step %scan3A_42  : i32 {
        %mul3A_45 = arith.constant 1 : i32
        %mul3A_46 = arith.muli %scan3A_44, %mul3A_45 : i32
        %add3A_47 = arith.constant 0 : i32
        %add3A_48 = arith.addi %add3A_47, %mul3A_46 : i32
        %mul3A_49 = arith.constant 640 : i32
        %mul3A_50 = arith.muli %arg1, %mul3A_49 : i32
        %mul3A_51 = arith.constant 64 : i32
        %mul3A_52 = arith.muli %add3A_48, %mul3A_51 : i32
        %add3A_53 = arith.addi %mul3A_50, %mul3A_52 : i32
        %multiple_of3A = tpu.assume_multiple %add3A_53, 8 : i32
        "tpu.region"() ({
          %run_scoped3A = tpu.sem_alloc : memref<!tpu.dma_semaphore, #tpu.memory_space<semaphore_mem>>
          %dma_start3A_54 = tpu.memref_slice %arg6[%multiple_of3A] : memref<10240xi32, #tpu.memory_space<hbm>> -> memref<64xi32, #tpu.memory_space<hbm>>
          %dma_start3A_55 = tpu.memref_slice %arg6[%multiple_of3A] : memref<10240xi32, #tpu.memory_space<hbm>> -> memref<64xi32, #tpu.memory_space<hbm>>
          tpu.enqueue_dma source(%dma_start3A_55 : memref<64xi32, #tpu.memory_space<hbm>>) target(%arg13 : memref<64xi32, #tpu.memory_space<vmem>>) target_semaphore(%run_scoped3A : memref<!tpu.dma_semaphore, #tpu.memory_space<semaphore_mem>>)
          %dma_wait3A_56 = tpu.memref_slice %arg6[%multiple_of3A] : memref<10240xi32, #tpu.memory_space<hbm>> -> memref<64xi32, #tpu.memory_space<hbm>>
          %dma_wait3A_57 = tpu.memref_slice %arg6[%multiple_of3A] : memref<10240xi32, #tpu.memory_space<hbm>> -> memref<64xi32, #tpu.memory_space<hbm>>
          tpu.wait_dma2 semaphore(%run_scoped3A : memref<!tpu.dma_semaphore, #tpu.memory_space<semaphore_mem>>) src(%dma_wait3A_57 : memref<64xi32, #tpu.memory_space<hbm>>) dst(%arg13 : memref<64xi32, #tpu.memory_space<vmem>>)
          tpu.yield
        }) : () -> ()
        "tpu.region"() ({
          %run_scoped3A = tpu.sem_alloc : memref<!tpu.dma_semaphore, #tpu.memory_space<semaphore_mem>>
          %dma_start3A_54 = arith.constant 0 : i32
          %dma_start3A_55 = arith.constant 0 : i32
          %dma_start3A_56 = tpu.memref_slice %arg16[%dma_start3A_54, %dma_start3A_55] : memref<10016x128xf32, #tpu.memory_space<vmem_shared>> -> memref<10016x128xf32, #tpu.memory_space<vmem_shared>>
          tpu.enqueue_indirect_dma source(%dma_start3A_56 : memref<10016x128xf32, #tpu.memory_space<vmem_shared>>) target(%arg15 : memref<64x128xf32, #tpu.memory_space<vmem>>) offsets(%arg13 : memref<64xi32, #tpu.memory_space<vmem>>) semaphore(%run_scoped3A : memref<!tpu.dma_semaphore, #tpu.memory_space<semaphore_mem>>)
          %dma_wait3A_57 = arith.constant 0 : i32
          %dma_wait3A_58 = arith.constant 0 : i32
          %dma_wait3A_59 = tpu.memref_slice %arg16[%dma_wait3A_57, %dma_wait3A_58] : memref<10016x128xf32, #tpu.memory_space<vmem_shared>> -> memref<10016x128xf32, #tpu.memory_space<vmem_shared>>
          tpu.wait_indirect_dma semaphore(%run_scoped3A : memref<!tpu.dma_semaphore, #tpu.memory_space<semaphore_mem>>) src(%dma_wait3A_59 : memref<10016x128xf32, #tpu.memory_space<vmem_shared>>) dst(%arg15 : memref<64x128xf32, #tpu.memory_space<vmem>>)
          tpu.yield
        }) : () -> ()
        "tpu.region"() ({
          %run_scoped3A = tpu.sem_alloc : memref<!tpu.dma_semaphore, #tpu.memory_space<semaphore_mem>>
          %dma_start3A_54 = arith.constant 0 : i32
          %dma_start3A_55 = tpu.memref_slice %arg9[%multiple_of3A, %dma_start3A_54] : memref<10240x128xf32, #tpu.memory_space<hbm>> -> memref<64x128xf32, #tpu.memory_space<hbm>>
          %dma_start3A_56 = arith.constant 0 : i32
          %dma_start3A_57 = tpu.memref_slice %arg9[%multiple_of3A, %dma_start3A_56] : memref<10240x128xf32, #tpu.memory_space<hbm>> -> memref<64x128xf32, #tpu.memory_space<hbm>>
          tpu.enqueue_dma source(%arg15 : memref<64x128xf32, #tpu.memory_space<vmem>>) target(%dma_start3A_57 : memref<64x128xf32, #tpu.memory_space<hbm>>) target_semaphore(%run_scoped3A : memref<!tpu.dma_semaphore, #tpu.memory_space<semaphore_mem>>)
          %dma_wait3A_58 = arith.constant 0 : i32
          %dma_wait3A_59 = tpu.memref_slice %arg9[%multiple_of3A, %dma_wait3A_58] : memref<10240x128xf32, #tpu.memory_space<hbm>> -> memref<64x128xf32, #tpu.memory_space<hbm>>
          %dma_wait3A_60 = arith.constant 0 : i32
          %dma_wait3A_61 = tpu.memref_slice %arg9[%multiple_of3A, %dma_wait3A_60] : memref<10240x128xf32, #tpu.memory_space<hbm>> -> memref<64x128xf32, #tpu.memory_space<hbm>>
          tpu.wait_dma2 semaphore(%run_scoped3A : memref<!tpu.dma_semaphore, #tpu.memory_space<semaphore_mem>>) src(%arg15 : memref<64x128xf32, #tpu.memory_space<vmem>>) dst(%dma_wait3A_61 : memref<64x128xf32, #tpu.memory_space<hbm>>)
          tpu.yield
        }) : () -> ()
      }
      %scan3A_43 = arith.constant 10 : i32
    } else {
    }
    return
  }
}

module attributes {stable_mosaic.version = 14 : i64} {
  func.func @_mm_body(%arg0: i32, %arg1: memref<1000x256xf32, #tpu.memory_space<vmem>>, %arg2: memref<256x256xf32, #tpu.memory_space<vmem>>, %arg3: memref<1000x256xf32, #tpu.memory_space<vmem>>) attributes {dimension_semantics = [#tpu.dimension_semantics<arbitrary>], iteration_bounds = array<i64: 10>, scalar_prefetch = 0 : i64, scratch_operands = 0 : i64, tpu.core_type = #tpu.core_type<tc>, window_params = [{transform_indices = @transform_0, window_bounds = array<i64: 1000, 256>}, {pipeline_mode = #tpu.pipeline_mode<synchronous>, transform_indices = @transform_1, window_bounds = array<i64: 256, 256>}, {transform_indices = @transform_2, window_bounds = array<i64: 1000, 256>}]} {
    %get3A = arith.constant 0 : index
    %get3A_0 = arith.constant 0 : index
    %get3A_1 = vector.load %arg1[%get3A, %get3A_0] : memref<1000x256xf32, #tpu.memory_space<vmem>>, vector<1000x256xf32>
    %get3A_2 = arith.constant 0 : index
    %get3A_3 = arith.constant 0 : index
    %get3A_4 = vector.load %arg2[%get3A_2, %get3A_3] : memref<256x256xf32, #tpu.memory_space<vmem>>, vector<256x256xf32>
    %dot_general3A = arith.constant dense<0.000000e+00> : vector<1000x256xf32>
    %dot_general3A_5 = tpu.matmul %get3A_1, %get3A_4, %dot_general3A {dimension_numbers = #tpu.dot_dimension_numbers<[1], [0], [0], [1], [0, 0, 1, 1], [], []>, precision = #tpu.contract_precision<fp32>, transpose_lhs_hint = false} : vector<1000x256xf32>, vector<256x256xf32>, vector<1000x256xf32> -> vector<1000x256xf32>
    %swap3A = arith.constant 0 : index
    %swap3A_6 = arith.constant 0 : index
    %swap3A_7 = vector.load %arg3[%swap3A, %swap3A_6] : memref<1000x256xf32, #tpu.memory_space<vmem>>, vector<1000x256xf32>
    tpu.vector_store %arg3[%swap3A, %swap3A_6], %dot_general3A_5 {strides = array<i32>} : memref<1000x256xf32, #tpu.memory_space<vmem>>, vector<1000x256xf32>,
    return
  }
  func.func @transform_0(%arg0: i32) -> (i32, i32) {
    %c0_i32 = arith.constant 0 : i32
    %c0_i32_0 = arith.constant 0 : i32
    return %arg0, %c0_i32 : i32, i32
  }
  func.func @transform_1(%arg0: i32) -> (i32, i32) {
    %c0_i32 = arith.constant 0 : i32
    %c0_i32_0 = arith.constant 0 : i32
    %c0_i32_1 = arith.constant 0 : i32
    return %c0_i32, %c0_i32_0 : i32, i32
  }
  func.func @transform_2(%arg0: i32) -> (i32, i32) {
    %c0_i32 = arith.constant 0 : i32
    %c0_i32_0 = arith.constant 0 : i32
    return %arg0, %c0_i32 : i32, i32
  }
}

module attributes {stable_mosaic.version = 14 : i64} {
  func.func @_scale_body(%arg0: i32, %arg1: memref<1000x256xf32, #tpu.memory_space<vmem>>, %arg2: memref<1000x1xf32, #tpu.memory_space<vmem>>, %arg3: memref<1000x1xf32, #tpu.memory_space<vmem>>, %arg4: memref<1000x128xf32, #tpu.memory_space<vmem>>, %arg5: memref<1000x128xf32, #tpu.memory_space<vmem>>, %arg6: memref<1000x1xf32, #tpu.memory_space<vmem>>) attributes {dimension_semantics = [#tpu.dimension_semantics<arbitrary>], iteration_bounds = array<i64: 10>, scalar_prefetch = 0 : i64, scratch_operands = 0 : i64, tpu.core_type = #tpu.core_type<tc>, window_params = [{transform_indices = @transform_0, window_bounds = array<i64: 1000, 256>}, {transform_indices = @transform_1, window_bounds = array<i64: 1000, 1>}, {transform_indices = @transform_2, window_bounds = array<i64: 1000, 1>}, {transform_indices = @transform_3, window_bounds = array<i64: 1000, 128>}, {transform_indices = @transform_4, window_bounds = array<i64: 1000, 128>}, {transform_indices = @transform_5, window_bounds = array<i64: 1000, 1>}]} {
    %get3A = arith.constant 0 : index
    %get3A_0 = arith.constant 0 : index
    %get3A_1 = vector.load %arg2[%get3A, %get3A_0] : memref<1000x1xf32, #tpu.memory_space<vmem>>, vector<1000x1xf32>
    %get3A_2 = arith.constant 0 : index
    %get3A_3 = arith.constant 0 : index
    %get3A_4 = vector.load %arg3[%get3A_2, %get3A_3] : memref<1000x1xf32, #tpu.memory_space<vmem>>, vector<1000x1xf32>
    %add3A = arith.addf %get3A_1, %get3A_4 : vector<1000x1xf32>
    %add3A_5 = arith.constant 1.000000e+00 : f32
    %add3A_6 = vector.broadcast %add3A_5 : f32 to vector<1000x1xf32>
    %add3A_7 = arith.addf %add3A, %add3A_6 : vector<1000x1xf32>
    %rsqrt3A = math.rsqrt %add3A_7 : vector<1000x1xf32>
    %get3A_8 = arith.constant 0 : index
    %get3A_9 = arith.constant 0 : index
    %get3A_10 = vector.load %arg1[%get3A_8, %get3A_9] : memref<1000x256xf32, #tpu.memory_space<vmem>>, vector<1000x256xf32>
    %mul3A = vector.broadcast %rsqrt3A : vector<1000x1xf32> to vector<1000x256xf32>
    %mul3A_11 = arith.mulf %get3A_10, %mul3A : vector<1000x256xf32>
    %slice3A = vector.extract_strided_slice %mul3A_11 {offsets = [0, 0], sizes = [1000, 128], strides = [1, 1]} : vector<1000x256xf32> to vector<1000x128xf32>
    %swap3A = arith.constant 0 : index
    %swap3A_12 = arith.constant 0 : index
    %swap3A_13 = vector.load %arg4[%swap3A, %swap3A_12] : memref<1000x128xf32, #tpu.memory_space<vmem>>, vector<1000x128xf32>
    tpu.vector_store %arg4[%swap3A, %swap3A_12], %slice3A {strides = array<i32>} : memref<1000x128xf32, #tpu.memory_space<vmem>>, vector<1000x128xf32>,
    %slice3A_14 = vector.extract_strided_slice %mul3A_11 {offsets = [0, 128], sizes = [1000, 128], strides = [1, 1]} : vector<1000x256xf32> to vector<1000x128xf32>
    %swap3A_15 = arith.constant 0 : index
    %swap3A_16 = arith.constant 0 : index
    %swap3A_17 = vector.load %arg5[%swap3A_15, %swap3A_16] : memref<1000x128xf32, #tpu.memory_space<vmem>>, vector<1000x128xf32>
    tpu.vector_store %arg5[%swap3A_15, %swap3A_16], %slice3A_14 {strides = array<i32>} : memref<1000x128xf32, #tpu.memory_space<vmem>>, vector<1000x128xf32>,
    %swap3A_18 = arith.constant 0 : index
    %swap3A_19 = arith.constant 0 : index
    %swap3A_20 = vector.load %arg6[%swap3A_18, %swap3A_19] : memref<1000x1xf32, #tpu.memory_space<vmem>>, vector<1000x1xf32>
    tpu.vector_store %arg6[%swap3A_18, %swap3A_19], %rsqrt3A {strides = array<i32>} : memref<1000x1xf32, #tpu.memory_space<vmem>>, vector<1000x1xf32>,
    return
  }
  func.func @transform_0(%arg0: i32) -> (i32, i32) {
    %c0_i32 = arith.constant 0 : i32
    %c0_i32_0 = arith.constant 0 : i32
    return %arg0, %c0_i32 : i32, i32
  }
  func.func @transform_1(%arg0: i32) -> (i32, i32) {
    %c0_i32 = arith.constant 0 : i32
    %c0_i32_0 = arith.constant 0 : i32
    return %arg0, %c0_i32 : i32, i32
  }
  func.func @transform_2(%arg0: i32) -> (i32, i32) {
    %c0_i32 = arith.constant 0 : i32
    %c0_i32_0 = arith.constant 0 : i32
    return %arg0, %c0_i32 : i32, i32
  }
  func.func @transform_3(%arg0: i32) -> (i32, i32) {
    %c0_i32 = arith.constant 0 : i32
    %c0_i32_0 = arith.constant 0 : i32
    return %arg0, %c0_i32 : i32, i32
  }
  func.func @transform_4(%arg0: i32) -> (i32, i32) {
    %c0_i32 = arith.constant 0 : i32
    %c0_i32_0 = arith.constant 0 : i32
    return %arg0, %c0_i32 : i32, i32
  }
  func.func @transform_5(%arg0: i32) -> (i32, i32) {
    %c0_i32 = arith.constant 0 : i32
    %c0_i32_0 = arith.constant 0 : i32
    return %arg0, %c0_i32 : i32, i32
  }
}

module attributes {stable_mosaic.version = 14 : i64} {
  func.func @_ep_body(%arg0: i32, %arg1: memref<1000x128xf32, #tpu.memory_space<vmem>>, %arg2: memref<1000x128xf32, #tpu.memory_space<vmem>>, %arg3: memref<1000x128xf32, #tpu.memory_space<vmem>>, %arg4: memref<1000x128xf32, #tpu.memory_space<vmem>>, %arg5: memref<1000x1xf32, #tpu.memory_space<vmem>>, %arg6: memref<1000x256xf32, #tpu.memory_space<vmem>>, %arg7: memref<1x256xf32, #tpu.memory_space<vmem>>, %arg8: memref<1x256xf32, #tpu.memory_space<vmem>>, %arg9: memref<1x256xf32, #tpu.memory_space<vmem>>, %arg10: memref<1000x256xf32, #tpu.memory_space<vmem>>) attributes {dimension_semantics = [#tpu.dimension_semantics<arbitrary>], iteration_bounds = array<i64: 10>, scalar_prefetch = 0 : i64, scratch_operands = 0 : i64, tpu.core_type = #tpu.core_type<tc>, window_params = [{transform_indices = @transform_0, window_bounds = array<i64: 1000, 128>}, {transform_indices = @transform_1, window_bounds = array<i64: 1000, 128>}, {transform_indices = @transform_2, window_bounds = array<i64: 1000, 128>}, {transform_indices = @transform_3, window_bounds = array<i64: 1000, 128>}, {transform_indices = @transform_4, window_bounds = array<i64: 1000, 1>}, {transform_indices = @transform_5, window_bounds = array<i64: 1000, 256>}, {pipeline_mode = #tpu.pipeline_mode<synchronous>, transform_indices = @transform_6, window_bounds = array<i64: 1, 256>}, {pipeline_mode = #tpu.pipeline_mode<synchronous>, transform_indices = @transform_7, window_bounds = array<i64: 1, 256>}, {pipeline_mode = #tpu.pipeline_mode<synchronous>, transform_indices = @transform_8, window_bounds = array<i64: 1, 256>}, {transform_indices = @transform_9, window_bounds = array<i64: 1000, 256>}]} {
    %get3A = arith.constant 0 : index
    %get3A_0 = arith.constant 0 : index
    %get3A_1 = vector.load %arg1[%get3A, %get3A_0] : memref<1000x128xf32, #tpu.memory_space<vmem>>, vector<1000x128xf32>
    %get3A_2 = arith.constant 0 : index
    %get3A_3 = arith.constant 0 : index
    %get3A_4 = vector.load %arg3[%get3A_2, %get3A_3] : memref<1000x128xf32, #tpu.memory_space<vmem>>, vector<1000x128xf32>
    %add3A = arith.addf %get3A_1, %get3A_4 : vector<1000x128xf32>
    %get3A_5 = arith.constant 0 : index
    %get3A_6 = arith.constant 0 : index
    %get3A_7 = vector.load %arg2[%get3A_5, %get3A_6] : memref<1000x128xf32, #tpu.memory_space<vmem>>, vector<1000x128xf32>
    %get3A_8 = arith.constant 0 : index
    %get3A_9 = arith.constant 0 : index
    %get3A_10 = vector.load %arg4[%get3A_8, %get3A_9] : memref<1000x128xf32, #tpu.memory_space<vmem>>, vector<1000x128xf32>
    %add3A_11 = arith.addf %get3A_7, %get3A_10 : vector<1000x128xf32>
    %concatenate3A = tpu.concatenate %add3A, %add3A_11 in 1 : vector<1000x128xf32>, vector<1000x128xf32> -> vector<1000x256xf32>
    %get3A_12 = arith.constant 0 : index
    %get3A_13 = arith.constant 0 : index
    %get3A_14 = vector.load %arg5[%get3A_12, %get3A_13] : memref<1000x1xf32, #tpu.memory_space<vmem>>, vector<1000x1xf32>
    %mul3A = vector.broadcast %get3A_14 : vector<1000x1xf32> to vector<1000x256xf32>
    %mul3A_15 = arith.mulf %concatenate3A, %mul3A : vector<1000x256xf32>
    %get3A_16 = arith.constant 0 : index
    %get3A_17 = arith.constant 0 : index
    %get3A_18 = vector.load %arg7[%get3A_16, %get3A_17] : memref<1x256xf32, #tpu.memory_space<vmem>>, vector<1x256xf32>
    %add3A_19 = vector.broadcast %get3A_18 : vector<1x256xf32> to vector<1000x256xf32>
    %add3A_20 = arith.addf %mul3A_15, %add3A_19 : vector<1000x256xf32>
    %reduce_sum3A = arith.constant dense<0.000000e+00> : vector<1000xf32>
    %reduce_sum3A_21 = vector.multi_reduction <add>, %add3A_20, %reduce_sum3A [1] : vector<1000x256xf32> to vector<1000xf32>
    %broadcast_in_dim3A = vector.shape_cast %reduce_sum3A_21 : vector<1000xf32> to vector<1000x1xf32>
    %div3A = arith.constant 2.560000e+02 : f32
    %div3A_22 = vector.broadcast %div3A : f32 to vector<1000x1xf32>
    %div3A_23 = arith.divf %broadcast_in_dim3A, %div3A_22 : vector<1000x1xf32>
    %sub3A = vector.broadcast %div3A_23 : vector<1000x1xf32> to vector<1000x256xf32>
    %sub3A_24 = arith.subf %add3A_20, %sub3A : vector<1000x256xf32>
    %mul3A_25 = arith.mulf %sub3A_24, %sub3A_24 : vector<1000x256xf32>
    %reduce_sum3A_26 = arith.constant dense<0.000000e+00> : vector<1000xf32>
    %reduce_sum3A_27 = vector.multi_reduction <add>, %mul3A_25, %reduce_sum3A_26 [1] : vector<1000x256xf32> to vector<1000xf32>
    %broadcast_in_dim3A_28 = vector.shape_cast %reduce_sum3A_27 : vector<1000xf32> to vector<1000x1xf32>
    %div3A_29 = arith.constant 2.560000e+02 : f32
    %div3A_30 = vector.broadcast %div3A_29 : f32 to vector<1000x1xf32>
    %div3A_31 = arith.divf %broadcast_in_dim3A_28, %div3A_30 : vector<1000x1xf32>
    %add3A_32 = arith.constant 9.99999974E-6 : f32
    %add3A_33 = vector.broadcast %add3A_32 : f32 to vector<1000x1xf32>
    %add3A_34 = arith.addf %div3A_31, %add3A_33 : vector<1000x1xf32>
    %rsqrt3A = math.rsqrt %add3A_34 : vector<1000x1xf32>
    %mul3A_35 = vector.broadcast %rsqrt3A : vector<1000x1xf32> to vector<1000x256xf32>
    %mul3A_36 = arith.mulf %sub3A_24, %mul3A_35 : vector<1000x256xf32>
    %get3A_37 = arith.constant 0 : index
    %get3A_38 = arith.constant 0 : index
    %get3A_39 = vector.load %arg8[%get3A_37, %get3A_38] : memref<1x256xf32, #tpu.memory_space<vmem>>, vector<1x256xf32>
    %mul3A_40 = vector.broadcast %get3A_39 : vector<1x256xf32> to vector<1000x256xf32>
    %mul3A_41 = arith.mulf %mul3A_36, %mul3A_40 : vector<1000x256xf32>
    %get3A_42 = arith.constant 0 : index
    %get3A_43 = arith.constant 0 : index
    %get3A_44 = vector.load %arg9[%get3A_42, %get3A_43] : memref<1x256xf32, #tpu.memory_space<vmem>>, vector<1x256xf32>
    %add3A_45 = vector.broadcast %get3A_44 : vector<1x256xf32> to vector<1000x256xf32>
    %add3A_46 = arith.addf %mul3A_41, %add3A_45 : vector<1000x256xf32>
    %max3A = arith.constant 0.000000e+00 : f32
    %max3A_47 = vector.broadcast %max3A : f32 to vector<1000x256xf32>
    %max3A_48 = arith.maximumf %add3A_46, %max3A_47 : vector<1000x256xf32>
    %get3A_49 = arith.constant 0 : index
    %get3A_50 = arith.constant 0 : index
    %get3A_51 = vector.load %arg6[%get3A_49, %get3A_50] : memref<1000x256xf32, #tpu.memory_space<vmem>>, vector<1000x256xf32>
    %add3A_52 = arith.addf %max3A_48, %get3A_51 : vector<1000x256xf32>
    %swap3A = arith.constant 0 : index
    %swap3A_53 = arith.constant 0 : index
    %swap3A_54 = vector.load %arg10[%swap3A, %swap3A_53] : memref<1000x256xf32, #tpu.memory_space<vmem>>, vector<1000x256xf32>
    tpu.vector_store %arg10[%swap3A, %swap3A_53], %add3A_52 {strides = array<i32>} : memref<1000x256xf32, #tpu.memory_space<vmem>>, vector<1000x256xf32>,
    return
  }
  func.func @transform_0(%arg0: i32) -> (i32, i32) {
    %c0_i32 = arith.constant 0 : i32
    %c0_i32_0 = arith.constant 0 : i32
    return %arg0, %c0_i32 : i32, i32
  }
  func.func @transform_1(%arg0: i32) -> (i32, i32) {
    %c0_i32 = arith.constant 0 : i32
    %c0_i32_0 = arith.constant 0 : i32
    return %arg0, %c0_i32 : i32, i32
  }
  func.func @transform_2(%arg0: i32) -> (i32, i32) {
    %c0_i32 = arith.constant 0 : i32
    %c0_i32_0 = arith.constant 0 : i32
    return %arg0, %c0_i32 : i32, i32
  }
  func.func @transform_3(%arg0: i32) -> (i32, i32) {
    %c0_i32 = arith.constant 0 : i32
    %c0_i32_0 = arith.constant 0 : i32
    return %arg0, %c0_i32 : i32, i32
  }
  func.func @transform_4(%arg0: i32) -> (i32, i32) {
    %c0_i32 = arith.constant 0 : i32
    %c0_i32_0 = arith.constant 0 : i32
    return %arg0, %c0_i32 : i32, i32
  }
  func.func @transform_5(%arg0: i32) -> (i32, i32) {
    %c0_i32 = arith.constant 0 : i32
    %c0_i32_0 = arith.constant 0 : i32
    return %arg0, %c0_i32 : i32, i32
  }
  func.func @transform_6(%arg0: i32) -> (i32, i32) {
    %c0_i32 = arith.constant 0 : i32
    %c0_i32_0 = arith.constant 0 : i32
    %c0_i32_1 = arith.constant 0 : i32
    return %c0_i32, %c0_i32_0 : i32, i32
  }
  func.func @transform_7(%arg0: i32) -> (i32, i32) {
    %c0_i32 = arith.constant 0 : i32
    %c0_i32_0 = arith.constant 0 : i32
    %c0_i32_1 = arith.constant 0 : i32
    return %c0_i32, %c0_i32_0 : i32, i32
  }
  func.func @transform_8(%arg0: i32) -> (i32, i32) {
    %c0_i32 = arith.constant 0 : i32
    %c0_i32_0 = arith.constant 0 : i32
    %c0_i32_1 = arith.constant 0 : i32
    return %c0_i32, %c0_i32_0 : i32, i32
  }
  func.func @transform_9(%arg0: i32) -> (i32, i32) {
    %c0_i32 = arith.constant 0 : i32
    %c0_i32_0 = arith.constant 0 : i32
    return %arg0, %c0_i32 : i32, i32
  }
}

</mosaic_0001>

<sc_bundles>
// kernel: kernel.10.cloned.1.call-start
scs
__scs_entry_jumppad:
0x0: {  	(pc) =	sbr.rel $0x88, $3  }
0x1: {  	(tag) =	ssettag $0x0;
	lr =	simm.s32 $0x1  }
0x2: {  	[smem:$0x3F9B] =	sst lr;
	_ =	strace $0xD0000000  }
0x3: {  	_ = 	snop  }
0x4: {  	_ = 	snop  }
0x5: {  	_ = 	snop  }
0x6: {  	_ = 	snop  }
0x7: {  	_ = 	snop  }
__scs_overlays_trampoline_lowered:
0x8: {  	[smem:$0x3FAA] =	sst s0  }
0x9: {  	[smem:$0x3FAB] =	sst s1  }
0xa: {  	[smem:$0x3FAC] =	sst s2  }
0xb: {  	[smem:$0x3FAD] =	sst s3  }
0xc: {  	[smem:$0x3FAE] =	sst s4  }
0xd: {  	[smem:$0x3FAF] =	sst s5  }
0xe: {  	[smem:$0x3FB0] =	sst s6  }
0xf: {  	[smem:$0x3FB1] =	sst s7  }
0x10: {  	[smem:$0x3FB2] =	sst s8  }
0x11: {  	[smem:$0x3FB3] =	sst s9;
	s0 =	simm.s32 @!p0 $0x0  }
0x12: {  	s1 =	sld [smem:$0x3F99];
	s0 =	simm.s32 @p0 $0x1  }
0x13: {  	[smem:$0x3FB4] =	sst s0;
	s0 =	simm.s32 @!p1 $0x0  }
0x14: {  	s2 =	sld [smem:$0x3F98];
	s0 =	simm.s32 @p1 $0x1  }
0x15: {  	[smem:$0x3FB5] =	sst s0;
	s0 =	simm.s32 @!p2 $0x0  }
0x16: {  	s3 =	sld [smem:$0x3FDB];
	s0 =	simm.s32 @p2 $0x1  }
0x17: {  	s4 =	simm.s32 $0x1BF5;
	[smem:$0x3FB7] =	sst s0  }
0x18: {  	s0 =	sld [smem:$0x3F9A];
	_ =	swait.ge [sflag:s4], $0x0  }
0x19: {  	s7 =	sld [smem:$0x3F9B]  }
0x1a: {  	s8 =	sadd.s32 $0xFFFFE003, lr  }
0x1b: {  	s9 =	sadd.s32 $0xFFFFFEF7, lr;
	s5 =	simm.s32 $0xFFFFFFFF;
	p2 =	slt.u32 s8, $0xFFFFF086  }
0x1c: {  	p1 =	slt.u32 s9, $0xF7A;
	s5 =	simm.s32 @!p2 $0x0  }
0x1d: {  	s5 =	simm.s32 @p1 $0x1;
	p0 =	seq.s32 s7, s2  }
0x1e: {  	s7 =	smul.u32 @!p0 $0xF7A, s2;
	p2 =	seq.s32 @!p0 s5, $0x0  }
0x1f: {  	s9 =	smul.u32 $0xF7A, s1;
	s8 =	simm.s32 @!p0 $0x1BF5;
	p2 =	por !p2, p0  }
0x20: {  	[sflag:s8] =	ssyncset.s32 @!p0 $0xFFFFF086;
	s6 =	sadd.s32 @!p0 s3, s7;
	s7 =	simm.s32 @!p0 $0x108  }
0x21: {  	s3 =	sadd.s32 s3, s9;
	s6 =	sadd.s32 @!p0 $0x88, s6;
	s7 =	simm.s32 @p2 $0x1082  }
0x22: {  	[simem:s7], [sflag:s8] =	dma.local @!p0 [hbm:s6], $0xF7A  }
0x23: {  	s9 =	sor.u32 $0xD0000000, s2;
	s6 =	simm.s32 $0x108;
	_ =	swait.ge @!p0 [sflag:s8], $0x0  }
0x24: {  	s3 =	sadd.s32 $0x88, s3;
	s6 =	simm.s32 @!p1 $0x1082;
	[sflag:s4] =	ssyncset.s32 $0xFFFFF086  }
0x25: {  	[simem:s6], [sflag:s4] =	dma.local [hbm:s3], $0xF7A  }
0x26: {  	[smem:$0x3F9B] =	sst s1;
	(tag) =	ssettag s2;
	_ =	strace s9  }
0x27: {  	s1 =	sld [smem:$0x3FAB]  }
0x28: {  	s2 =	sld [smem:$0x3FAC]  }
0x29: {  	s4 =	sld [smem:$0x3FAE]  }
0x2a: {  	p0 =	seq.s32 s5, $0x0;
	s5 =	sld [smem:$0x3FAF]  }
0x2b: {  	s6 =	sld [smem:$0x3FB0]  }
0x2c: {  	s7 =	sld [smem:$0x3FB1]  }
0x2d: {  	s3 =	simm.s32 $0x108;
	s8 =	sld [smem:$0x3FB2]  }
0x2e: {  	s3 =	simm.s32 @!p0 $0x1082;
	s9 =	sld [smem:$0x3FB3]  }
0x2f: {  	lr =	sadd.s32 s0, s3;
	s0 =	sld [smem:$0x3FAA]  }
0x30: {  	s3 =	sld [smem:$0x3FAD]  }
0x31: {  	[smem:$0x3FB6] =	sst s10  }
0x32: {  	s10 =	sld [smem:$0x3FB4];
	_ =	sdelay $0x3  }
0x33: {  	p0 =	seq.s32 s10, $0x1;
	s10 =	sld [smem:$0x3FB6];
	_ =	sdelay $0x3  }
0x34: {  	[smem:$0x3FB6] =	sst s10  }
0x35: {  	s10 =	sld [smem:$0x3FB5];
	_ =	sdelay $0x3  }
0x36: {  	p1 =	seq.s32 s10, $0x1;
	s10 =	sld [smem:$0x3FB6];
	_ =	sdelay $0x3  }
0x37: {  	[smem:$0x3FB6] =	sst s10  }
0x38: {  	s10 =	sld [smem:$0x3FB7]  }
0x39: {  	_ = 	snop;
	(pc) =	sbr.ind lr, $3  }
0x3a: {  	_ = 	snop  }
0x3b: {  	_ = 	snop  }
0x3c: {  	p2 =	seq.s32 s10, $0x1;
	s10 =	sld [smem:$0x3FB6]  }
0x3d: {  	_ =	shalt  }
0x3e: {  	_ =	shalt  }
0x3f: {  	_ =	shalt  }
0x40: {  	_ =	shalt  }
0x41: {  	_ =	shalt  }
0x42: {  	_ =	shalt  }
0x43: {  	_ =	shalt  }
0x44: {  	_ =	shalt  }
0x45: {  	_ =	shalt  }
0x46: {  	_ =	shalt  }
0x47: {  	_ =	shalt  }
0x48: {  	_ =	shalt  }
0x49: {  	_ =	shalt  }
0x4a: {  	_ =	shalt  }
0x4b: {  	_ =	shalt  }
0x4c: {  	_ =	shalt  }
0x4d: {  	_ =	shalt  }
0x4e: {  	_ =	shalt  }
0x4f: {  	_ =	shalt  }
0x50: {  	_ =	shalt  }
0x51: {  	_ =	shalt  }
0x52: {  	_ =	shalt  }
0x53: {  	_ =	shalt  }
0x54: {  	_ =	shalt  }
0x55: {  	_ =	shalt  }
0x56: {  	_ =	shalt  }
0x57: {  	_ =	shalt  }
0x58: {  	_ =	shalt  }
0x59: {  	_ =	shalt  }
0x5a: {  	_ =	shalt  }
0x5b: {  	_ =	shalt  }
0x5c: {  	_ =	shalt  }
0x5d: {  	_ =	shalt  }
0x5e: {  	_ =	shalt  }
0x5f: {  	_ =	shalt  }
0x60: {  	_ =	shalt  }
0x61: {  	_ =	shalt  }
0x62: {  	_ =	shalt  }
0x63: {  	_ =	shalt  }
0x64: {  	_ =	shalt  }
0x65: {  	_ =	shalt  }
0x66: {  	_ =	shalt  }
0x67: {  	_ =	shalt  }
0x68: {  	_ =	shalt  }
0x69: {  	_ =	shalt  }
0x6a: {  	_ =	shalt  }
0x6b: {  	_ =	shalt  }
0x6c: {  	_ =	shalt  }
0x6d: {  	_ =	shalt  }
0x6e: {  	_ =	shalt  }
0x6f: {  	_ =	shalt  }
0x70: {  	_ =	shalt  }
0x71: {  	_ =	shalt  }
0x72: {  	_ =	shalt  }
0x73: {  	_ =	shalt  }
0x74: {  	_ =	shalt  }
0x75: {  	_ =	shalt  }
0x76: {  	_ =	shalt  }
0x77: {  	_ =	shalt  }
0x78: {  	_ =	shalt  }
0x79: {  	_ =	shalt  }
0x7a: {  	_ =	shalt  }
0x7b: {  	_ =	shalt  }
0x7c: {  	_ =	shalt  }
0x7d: {  	_ =	shalt  }
0x7e: {  	_ =	shalt  }
0x7f: {  	_ =	shalt  }
0x80: {  	_ =	shalt  }
0x81: {  	_ =	shalt  }
0x82: {  	_ =	shalt  }
0x83: {  	_ =	shalt  }
0x84: {  	_ =	shalt  }
0x85: {  	_ =	shalt  }
0x86: {  	_ =	shalt  }
0x87: {  	_ =	shalt  }
.Lfunc_end0:
.L_simem_size_0:
called_computation.1_lowered:
.L_overlay_start_0:
0x88: {  	s2 =	sld [smem:$0x3FD9]  }
0x89: {  	s3 =	sld [smem:$0x3FFE];
	_ =	sdelay $0x1  }
0x8a: {  	s1 =	srdreg.scid  }
0x8b: {  	s0 =	sand.u32 $0x1, s1  }
0x8c: {  	s17 =	sshll.u32 s0, $0xA;
	s2 =	sadd.s32 s3, s2  }
0x8d: {  	s2 =	sadd.s32 s2, s17  }
0x8e: {  	[smem:$0x3FC2] =	sst s2  }
0x8f: {  	_ = 	snop  }
0x90: {  	s2 =	sld [smem:$0x3FD0];
	(tm) =	ssettm $0x1  }
0x91: {  	s18 =	sld [smem:$0x3FFB];
	_ =	sdelay $0x3  }
0x92: {  	_ =	strace s18  }
0x93: {  	s3 =	sld [smem:$0x3FFC];
	_ =	sdelay $0x3  }
0x94: {  	_ =	strace s3  }
0x95: {  	s3 =	sld [smem:$0x3FFD];
	_ =	sdelay $0x3  }
0x96: {  	_ =	strace s3  }
0x97: {  	_ =	strace $0x8FFFFFFF  }
0x98: {  	s19 =	sld [smem:$0x3FDB];
	_ =	sdelay $0x1  }
0x99: {  	s4 =	simm.s32 $_scs_section_size  }
0x9a: {  	s5 =	simm.s32 $_size__tile_overlayer_lowered;
	s6 =	simm.s32 $_tile_overlayer_lowered  }
0x9b: {  	s22 =	simm.s32 $0x1BFF;
	s21 =	sshll.u32 s6, $0x1;
	s3 =	sadd.s32 s4, s19  }
0x9c: {  	s7 =	simm.s32 $0x0;
	s20 =	sshll.u32 s5, $0x1;
	s5 =	sadd.s32 s21, s3  }
0x9d: {  	[timem:s7], [sflag:s22] =	dma.local [hbm:s5], s20  }
0x9e: {  	_ =	swait.ge [sflag:s22], s20  }
0x9f: {  	s4 =	ssub.s32 $0x0, s20;
	[sflag:s22] =	ssyncset.done $0x0  }
0xa0: {  	[sflag:s22] =	ssyncadd.s32 s4;
	_ =	sdelay $0x1  }
0xa1: {  	s23 =	simm.s32 $0x1B8B  }
0xa2: {  	_ =	swait.ge [sflag:s23], $0x1  }
0xa3: {  	[sflag:s23] =	ssyncset.done $0x0  }
0xa4: {  	s25 =	simm.s32 $0x1B8E;
	s24 =	sld [smem:$0x3FFE];
	[sflag:s23] =	ssyncadd.s32 $0xFFFFFFFF  }
0xa5: {  	s26 =	simm.s32 $execute0_lowered;
	[smem:$0x3FD2] =	sst s25  }
0xa6: {  	s5 =	sshll.u32 s26, $0x1;
	_ =	strace $0x80000049;
	[dreg:$0x1] =	wrdreg $0xFFFFFFFF  }
0xa7: {  	s28 =	simm.s32 $_size_execute0_lowered;
	s3 =	sadd.s32 s3, s5;
	[dreg:$0x0] =	wrdreg $0x0  }
0xa8: {  	s5 =	sshll.u32 s28, $0x1;
	[dreg:$0x2] =	wrdreg s3  }
0xa9: {  	[dreg:$0x3] =	wrdreg s5  }
0xaa: {  	[dreg:$0x4] =	wrdreg $0xC0  }
0xab: {  	_ =	task [dreg:s7], $0x5FFFF  }
0xac: {  	[dreg:$0x1] =	wrdreg $0xFFFFFFFF  }
0xad: {  	[dreg:$0x0] =	wrdreg $0x60  }
0xae: {  	[dreg:$0x2] =	wrdreg s24  }
0xaf: {  	[dreg:$0x3] =	wrdreg s2  }
0xb0: {  	[dreg:$0x4] =	wrdreg $0x91800  }
0xb1: {  	[dreg:$0x5] =	wrdreg $0x9  }
0xb2: {  	_ =	task.clear_ibuf [dreg:s7], $0x6FFFF;
	_ =	strace $0x90000049  }
0xb3: {  	s29 =	simm.s32 $0x9;
	_ =	strace $0x8000004B  }
0xb4: {  	_ =	swait.ge [sflag:s29], $0x1  }
0xb5: {  	[sflag:s29] =	ssyncadd.s32 $0xFFFFFFFF  }
0xb6: {  	_ =	strace $0x9000004B  }
0xb7: {  	_ =	sfence  }
0xb8: {  	s30 =	sld [smem:$0x0];
	_ =	sdelay $0x2  }
0xb9: {  	s31 =	sshll.u32 s1, $0xD;
	s1 =	sshrl.u32 s1, $0x2  }
0xba: {  	s3 =	sand.u32 $0x4000, s31;
	s1 =	sadd.s32 s1, s30  }
0xbb: {  	s0 =	sor.u32 s3, s0;
	s1 =	sshll.u32 s1, $0x11  }
0xbc: {  	s0 =	sor.u32 s1, s0  }
0xbd: {  	s0 =	sadd.s32 $0x8F2B, s0  }
0xbe: {  	[sflag:s0] =	ssyncadd.remote.s32 $0x1  }
0xbf: {  	_ =	sfence.sel $0xFFFF  }
0xc0: {  	[dreg:$0x0] =	wrdreg $0xFFFFFFFF;
	(pc) =	sbr.abs _section_cstart, $3  }
0xc1: {  	[dreg:$0x1] =	wrdreg $0xFFFFFFFF  }
0xc2: {  	_ =	task.clear_ibuf [dreg:s7], $0x2FFFF;
	_ =	strace $0x9FFFFFFF  }
0xc3: {  	(tm) =	ssettm $0x7FFFFFFF  }
tec
execute0_lowered:
.L_overlay_start_1:
0x0: {  	(tag) =	ssettag $0x1  }
0x1: {  	s0 =	rddreg [dreg:$0x0]  }
0x2: {  	s1 =	rddreg [dreg:$0x1]  }
0x3: {  	s2 =	rddreg [dreg:$0x2];
	s3 =	simm.s32 $0x0  }
0x4: {  	s13 =	stileid.u32;
	s7 =	srdreg.scid;
	s28 =	simm.s32 $0x5100  }
0x5: {  	s29 =	simm.s32 $0x40;
	s30 =	simm.s32 $0x5000;
	s31 =	simm.s32 $0x5080  }
0x6: {  	[smem:$0x7FF] =	sst s3;
	s6 =	smul.u32 $0xA00, s13;
	s4 =	sadd.s32 $0xDA00, s0  }
0x7: {  	s5 =	sadd.s32 $0x34C00, s0;
	s10 =	smul.u32 $0x2800, s13;
	s7 =	sand.u32 $0x1, s7  }
0x8: {  	s11 =	sadd.s32 $0xD000, s0;
	s9 =	smul.u32 $0x280, s13;
	s12 =	sadd.s32 $0xD600, s0  }
0x9: {  	s26 =	smul.u32 $0x50, s13;
	_ =	strace $0x8000004A;
	s8 =	ssub.s32 $0x2, s7  }
0xa: {  	[dreg:$0x4] =	wrdreg s12;
	p0 =	seq.s32 s7, $0x1;
	s6 =	sadd.s32 s6, s0  }
0xb: {  	s16 =	sshrl.u32 s8, $0x1;
	s17 =	sshrl.u32 s9, $0x3;
	s18 =	sadd.s32 $0x3000, s6  }
0xc: {  	s12 =	ssub.s32 s8, s16;
	s19 =	sadd.s32 $0x5DE10, s6;
	[dreg:$0x5] =	wrdreg s18  }
0xd: {  	s9 =	sadd.s32 s11, s17;
	[dreg:$0x6] =	wrdreg s19;
	s20 =	smax.u32 s12, $0x1  }
0xe: {  	s7 =	simm.s32 $0x3;
	s21 =	sadd.s32 $0x8, s9;
	[dreg:$0x7] =	wrdreg s20  }
0xf: {  	s0 =	sadd.s32 s10, s0;
	s22 =	sadd.s32 $0x10, s9;
	[dreg:$0x8] =	wrdreg s21  }
0x10: {  	s8 =	sadd.s32 $0x5DE00, s6;
	s23 =	sadd.s32 $0x18, s9;
	[dreg:$0x9] =	wrdreg s22  }
0x11: {  	s24 =	sadd.s32 $0x20, s9;
	s25 =	sadd.s32 $0x28, s9;
	[dreg:$0xa] =	wrdreg s23  }
0x12: {  	s17 =	sadd.s32 $0x30, s9;
	s18 =	sadd.s32 $0x38, s9;
	[dreg:$0xb] =	wrdreg s24  }
.Ltmp0:
0x13: {  	s19 =	sadd.s32 $0x40, s9;
	[dreg:$0xc] =	wrdreg s25;
	(pc) =	sbr.rel .LBB2_1-.Ltmp0, $4  }
0x14: {  	s20 =	sadd.s32 s10, s1;
	s21 =	sadd.s32 $0x48, s9;
	s22 =	sadd.s32 $0x5DE20, s6  }
0x15: {  	s23 =	sadd.s32 s26, s11;
	s24 =	sadd.s32 $0x8F000, s0;
	s25 =	simm.s32 $0x5180  }
0x16: {  	s26 =	simm.s32 $0x5;
	s0 =	simm.s32 $0x1;
	s1 =	simm.s32 $0x4  }
0x17: {  	s6 =	simm.s32 $0x7180;
	s10 =	simm.s32 $0x2;
	s11 =	simm.s32 $0x0  }
.LBB2_11:
0x18: {  	s13 =	sadd.s32 s13, s23;
	[sflag:s26] =	ssyncadd.s32 $0xFFFFE000  }
0x19: {  	[tilespmem:s28], [sflag:$0x5] =	stream.linear.gather [hbm4b:s13+s3], $0x40, $0x38;
	[tilespmem:$0x1CA80] =	vst v63  }
0x1a: {  	_ =	swait.ge [sflag:s26], $0x40  }
0x1b: {  	[sflag:s26] =	ssyncset.done $0x0  }
0x1c: {  	[sflag:s26] =	ssyncadd.s32 $0xFFFFFFC0  }
0x1d: {  	[tilespmem:s6], [sflag:$0x5] =	stream.indirect.gather [spmem:s2], $0x80, s28, s29, $0xb8;
	[tilespmem:$0x1CA80] =	vst v63  }
0x1e: {  	_ =	swait.ge [sflag:s26], $0x2000  }
0x1f: {  	[sflag:s26] =	ssyncset.done $0x0  }
0x20: {  	[sflag:s26] =	ssyncadd.s32 $0xFFFFE000  }
0x21: {  	[hbm4b:s12+s3] =	stream.linear.scatter [tilespmem:s6], [sflag:$0x5], $0x2000, $0x38;
	[tilespmem:$0x1CA80] =	vst v63  }
0x22: {  	_ =	swait.ge [sflag:s26], $0x2000  }
0x23: {  	[sflag:s26] =	ssyncset.done $0x0  }
0x24: {  	[sflag:s26] =	ssyncadd.s32 $0xFFFFE000  }
.LBB2_12:
0x25: {  	s11 =	sadd.s32 $0x1, s11;
	s12 =	rddreg [dreg:$0x7]  }
0x26: {  	p1 =	sne.s32 s11, s12  }
.Ltmp1:
0x27: {  	_ = 	snop;
	(pc) =	sbr.rel @!p1 .LBB2_13-.Ltmp1, $1  }
0x28: {  	_ =	sdelay $0x3  }
.LBB2_1:
0x29: {  	s12 =	rddreg [dreg:$0x4]  }
0x2a: {  	[tilespmem:s25], [sflag:$0x5] =	stream.linear.gather [hbm4b:s12+s3], $0x2000, $0x38;
	[tilespmem:$0x1CA80] =	vst v63  }
0x2b: {  	_ =	swait.ge [sflag:s26], $0x2000  }
0x2c: {  	[sflag:s26] =	ssyncset.done $0x0  }
.Ltmp2:
0x2d: {  	s16 =	rddreg [dreg:$0x5];
	[sflag:s26] =	ssyncadd.s32 $0xFFFFE000;
	(pc) =	sbr.rel @!p0 .LBB2_2-.Ltmp2, $4  }
0x2e: {  	[tilespmem:s3], [sflag:$0x5] =	stream.linear.gather [hbm4b:s16+s3], $0x5000, $0x38;
	[tilespmem:$0x1CA80] =	vst v63  }
0x2f: {  	_ =	swait.ge [sflag:s26], $0x5000  }
0x30: {  	[sflag:s26] =	ssyncset.done $0x0  }
0x31: {  	s12 =	simm.s32 $0x0;
	[sflag:s26] =	ssyncadd.s32 $0xFFFFB000  }
0x32: {  	[tilespmem:s28], [sflag:$0x5] =	stream.linear.gather [hbm4b:s9+s12], $0x40, $0x38;
	[tilespmem:$0x1CA80] =	vst v63  }
0x33: {  	_ =	swait.ge [sflag:s26], $0x40  }
0x34: {  	[sflag:s26] =	ssyncset.done $0x0  }
0x35: {  	[sflag:s26] =	ssyncadd.s32 $0xFFFFFFC0  }
0x36: {  	[spmem:s2] =	stream.indirect.scatter [tilespmem:s25], [sflag:$0x5], $0x80, s28, s29, $0xb8;
	[tilespmem:$0x1CA80] =	vst v63  }
0x37: {  	_ =	swait.ge [sflag:s26], $0x2000  }
0x38: {  	[sflag:s26] =	ssyncset.done $0x0  }
0x39: {  	s13 =	rddreg [dreg:$0x8];
	[sflag:s26] =	ssyncadd.s32 $0xFFFFE000  }
0x3a: {  	[tilespmem:s28], [sflag:$0x5] =	stream.linear.gather [hbm4b:s13+s12], $0x40, $0x38;
	[tilespmem:$0x1CA80] =	vst v63  }
0x3b: {  	_ =	swait.ge [sflag:s26], $0x40  }
0x3c: {  	[sflag:s26] =	ssyncset.done $0x0  }
0x3d: {  	[sflag:s26] =	ssyncadd.s32 $0xFFFFFFC0  }
0x3e: {  	[spmem:s2] =	stream.indirect.scatter [tilespmem:s25], [sflag:$0x5], $0x80, s28, s29, $0xb8;
	[tilespmem:$0x1CA80] =	vst v63  }
0x3f: {  	_ =	swait.ge [sflag:s26], $0x2000  }
0x40: {  	[sflag:s26] =	ssyncset.done $0x0  }
0x41: {  	s16 =	rddreg [dreg:$0x9];
	[sflag:s26] =	ssyncadd.s32 $0xFFFFE000  }
0x42: {  	[tilespmem:s28], [sflag:$0x5] =	stream.linear.gather [hbm4b:s16+s12], $0x40, $0x38;
	[tilespmem:$0x1CA80] =	vst v63  }
0x43: {  	_ =	swait.ge [sflag:s26], $0x40  }
0x44: {  	[sflag:s26] =	ssyncset.done $0x0  }
0x45: {  	[sflag:s26] =	ssyncadd.s32 $0xFFFFFFC0  }
0x46: {  	[spmem:s2] =	stream.indirect.scatter [tilespmem:s25], [sflag:$0x5], $0x80, s28, s29, $0xb8;
	[tilespmem:$0x1CA80] =	vst v63  }
0x47: {  	_ =	swait.ge [sflag:s26], $0x2000  }
0x48: {  	[sflag:s26] =	ssyncset.done $0x0  }
0x49: {  	s14 =	rddreg [dreg:$0xa];
	[sflag:s26] =	ssyncadd.s32 $0xFFFFE000  }
0x4a: {  	[tilespmem:s28], [sflag:$0x5] =	stream.linear.gather [hbm4b:s14+s12], $0x40, $0x38;
	[tilespmem:$0x1CA80] =	vst v63  }
0x4b: {  	_ =	swait.ge [sflag:s26], $0x40  }
0x4c: {  	[sflag:s26] =	ssyncset.done $0x0  }
0x4d: {  	[sflag:s26] =	ssyncadd.s32 $0xFFFFFFC0  }
0x4e: {  	[spmem:s2] =	stream.indirect.scatter [tilespmem:s25], [sflag:$0x5], $0x80, s28, s29, $0xb8;
	[tilespmem:$0x1CA80] =	vst v63  }
0x4f: {  	_ =	swait.ge [sflag:s26], $0x2000  }
0x50: {  	[sflag:s26] =	ssyncset.done $0x0  }
0x51: {  	s15 =	rddreg [dreg:$0xb];
	[sflag:s26] =	ssyncadd.s32 $0xFFFFE000  }
0x52: {  	[tilespmem:s28], [sflag:$0x5] =	stream.linear.gather [hbm4b:s15+s12], $0x40, $0x38;
	[tilespmem:$0x1CA80] =	vst v63  }
0x53: {  	_ =	swait.ge [sflag:s26], $0x40  }
0x54: {  	[sflag:s26] =	ssyncset.done $0x0  }
0x55: {  	[sflag:s26] =	ssyncadd.s32 $0xFFFFFFC0  }
0x56: {  	[spmem:s2] =	stream.indirect.scatter [tilespmem:s25], [sflag:$0x5], $0x80, s28, s29, $0xb8;
	[tilespmem:$0x1CA80] =	vst v63  }
0x57: {  	_ =	swait.ge [sflag:s26], $0x2000  }
0x58: {  	[sflag:s26] =	ssyncset.done $0x0  }
0x59: {  	s16 =	rddreg [dreg:$0xc];
	[sflag:s26] =	ssyncadd.s32 $0xFFFFE000  }
0x5a: {  	[tilespmem:s28], [sflag:$0x5] =	stream.linear.gather [hbm4b:s16+s12], $0x40, $0x38;
	[tilespmem:$0x1CA80] =	vst v63  }
0x5b: {  	_ =	swait.ge [sflag:s26], $0x40  }
0x5c: {  	[sflag:s26] =	ssyncset.done $0x0  }
0x5d: {  	[sflag:s26] =	ssyncadd.s32 $0xFFFFFFC0  }
0x5e: {  	[spmem:s2] =	stream.indirect.scatter [tilespmem:s25], [sflag:$0x5], $0x80, s28, s29, $0xb8;
	[tilespmem:$0x1CA80] =	vst v63  }
0x5f: {  	_ =	swait.ge [sflag:s26], $0x2000  }
0x60: {  	[sflag:s26] =	ssyncset.done $0x0  }
0x61: {  	[sflag:s26] =	ssyncadd.s32 $0xFFFFE000  }
0x62: {  	[tilespmem:s28], [sflag:$0x5] =	stream.linear.gather [hbm4b:s17+s12], $0x40, $0x38;
	[tilespmem:$0x1CA80] =	vst v63  }
0x63: {  	_ =	swait.ge [sflag:s26], $0x40  }
0x64: {  	[sflag:s26] =	ssyncset.done $0x0  }
0x65: {  	[sflag:s26] =	ssyncadd.s32 $0xFFFFFFC0  }
0x66: {  	[spmem:s2] =	stream.indirect.scatter [tilespmem:s25], [sflag:$0x5], $0x80, s28, s29, $0xb8;
	[tilespmem:$0x1CA80] =	vst v63  }
0x67: {  	_ =	swait.ge [sflag:s26], $0x2000  }
0x68: {  	[sflag:s26] =	ssyncset.done $0x0  }
0x69: {  	[sflag:s26] =	ssyncadd.s32 $0xFFFFE000  }
0x6a: {  	[tilespmem:s28], [sflag:$0x5] =	stream.linear.gather [hbm4b:s18+s12], $0x40, $0x38;
	[tilespmem:$0x1CA80] =	vst v63  }
0x6b: {  	_ =	swait.ge [sflag:s26], $0x40  }
0x6c: {  	[sflag:s26] =	ssyncset.done $0x0  }
0x6d: {  	[sflag:s26] =	ssyncadd.s32 $0xFFFFFFC0  }
0x6e: {  	[spmem:s2] =	stream.indirect.scatter [tilespmem:s25], [sflag:$0x5], $0x80, s28, s29, $0xb8;
	[tilespmem:$0x1CA80] =	vst v63  }
0x6f: {  	_ =	swait.ge [sflag:s26], $0x2000  }
0x70: {  	[sflag:s26] =	ssyncset.done $0x0  }
0x71: {  	[sflag:s26] =	ssyncadd.s32 $0xFFFFE000  }
0x72: {  	[tilespmem:s28], [sflag:$0x5] =	stream.linear.gather [hbm4b:s19+s12], $0x40, $0x38;
	[tilespmem:$0x1CA80] =	vst v63  }
0x73: {  	_ =	swait.ge [sflag:s26], $0x40  }
0x74: {  	[sflag:s26] =	ssyncset.done $0x0  }
0x75: {  	[sflag:s26] =	ssyncadd.s32 $0xFFFFFFC0  }
0x76: {  	[spmem:s2] =	stream.indirect.scatter [tilespmem:s25], [sflag:$0x5], $0x80, s28, s29, $0xb8;
	[tilespmem:$0x1CA80] =	vst v63  }
0x77: {  	_ =	swait.ge [sflag:s26], $0x2000  }
0x78: {  	[sflag:s26] =	ssyncset.done $0x0  }
0x79: {  	[sflag:s26] =	ssyncadd.s32 $0xFFFFE000  }
0x7a: {  	[tilespmem:s28], [sflag:$0x5] =	stream.linear.gather [hbm4b:s21+s12], $0x40, $0x38;
	[tilespmem:$0x1CA80] =	vst v63  }
0x7b: {  	_ =	swait.ge [sflag:s26], $0x40  }
0x7c: {  	[sflag:s26] =	ssyncset.done $0x0  }
0x7d: {  	[sflag:s26] =	ssyncadd.s32 $0xFFFFFFC0  }
0x7e: {  	[spmem:s2] =	stream.indirect.scatter [tilespmem:s25], [sflag:$0x5], $0x80, s28, s29, $0xb8;
	[tilespmem:$0x1CA80] =	vst v63  }
0x7f: {  	_ =	swait.ge [sflag:s26], $0x2000  }
0x80: {  	[sflag:s26] =	ssyncset.done $0x0  }
0x81: {  	[sflag:s26] =	ssyncadd.s32 $0xFFFFE000  }
0x82: {  	[bflag:$0x0] =	sbarrier.arrive $0xFFFF  }
0x83: {  	[tilespmem:s30], [sflag:$0x5] =	stream.linear.gather [hbm4b:s8+s12], $0x80, $0x38;
	[tilespmem:$0x1CA80] =	vst v63  }
0x84: {  	_ =	swait.ge [sflag:s26], $0x80  }
0x85: {  	[sflag:s26] =	ssyncset.done $0x0  }
0x86: {  	[sflag:s26] =	ssyncadd.s32 $0xFFFFFF80  }
0x87: {  	[tilespmem:s25], [sflag:$0x1] =	stream.indirect.gather [hbm4b:s5+s29], $0x80, s30, s29, $0xb8;
	[tilespmem:$0x1CA80] =	vst v63  }
0x88: {  	s14 =	rddreg [dreg:$0x6]  }
0x89: {  	[tilespmem:s31], [sflag:$0x4] =	stream.linear.gather [hbm4b:s14+s12], $0x80, $0x38;
	[tilespmem:$0x1CA80] =	vst v63  }
0x8a: {  	_ =	swait.ge [sflag:s0], $0x2000  }
0x8b: {  	[sflag:s0] =	ssyncset.done $0x0  }
0x8c: {  	[sflag:s0] =	ssyncadd.s32 $0xFFFFE000  }
0x8d: {  	[tilespmem:s30], [sflag:$0x3] =	stream.linear.gather [hbm4b:s22+s3], $0x80, $0x38;
	[tilespmem:$0x1CA80] =	vst v63  }
0x8e: {  	_ =	swait.ge [sflag:s1], $0x80  }
0x8f: {  	[sflag:s1] =	ssyncset.done $0x0  }
0x90: {  	[sflag:s1] =	ssyncadd.s32 $0xFFFFFF80  }
0x91: {  	[tilespmem:s6], [sflag:$0x2] =	stream.indirect.gather [hbm4b:s5+s29], $0x80, s31, s29, $0xb8;
	[tilespmem:$0x1CA80] =	vst v63  }
0x92: {  	s15 =	simm.s32 $0x0  }
0x93: {  	[spmem:s2] =	stream.indirect.scatter.add.f32 [tilespmem:s25], [sflag:$0x5], $0x80, s15, s29, $0xb8;
	[tilespmem:$0x1CA80] =	vst v63  }
0x94: {  	_ =	swait.ge [sflag:s26], $0x2000  }
0x95: {  	[sflag:s26] =	ssyncset.done $0x0  }
0x96: {  	[sflag:s26] =	ssyncadd.s32 $0xFFFFE000  }
0x97: {  	_ =	swait.ge [sflag:s7], $0x80  }
0x98: {  	[sflag:s7] =	ssyncset.done $0x0  }
0x99: {  	[sflag:s7] =	ssyncadd.s32 $0xFFFFFF80  }
0x9a: {  	[tilespmem:s25], [sflag:$0x1] =	stream.indirect.gather [hbm4b:s5+s29], $0x80, s30, s29, $0xb8;
	[tilespmem:$0x1CA80] =	vst v63  }
0x9b: {  	_ =	swait.ge [sflag:s10], $0x2000  }
0x9c: {  	[sflag:s10] =	ssyncset.done $0x0  }
0x9d: {  	s16 =	simm.s32 $0x80;
	[sflag:s10] =	ssyncadd.s32 $0xFFFFE000  }
0x9e: {  	[spmem:s2] =	stream.indirect.scatter.add.f32 [tilespmem:s6], [sflag:$0x5], $0x80, s16, s29, $0xb8;
	[tilespmem:$0x1CA80] =	vst v63  }
0x9f: {  	_ =	swait.ge [sflag:s26], $0x2000  }
0xa0: {  	s13 =	sadd.s32 $0x20, s22;
	[sflag:s26] =	ssyncset.done $0x0  }
0xa1: {  	s12 =	simm.s32 $0x400;
	s14 =	sadd.s32 $0x10, s22;
	[sflag:s26] =	ssyncadd.s32 $0xFFFFE000  }
.LBB2_8:
0xa2: {  	[tilespmem:s31], [sflag:$0x4] =	stream.linear.gather [hbm4b:s14+s3], $0x80, $0x38;
	[tilespmem:$0x1CA80] =	vst v63  }
0xa3: {  	s14 =	smov.u32 s12  }
0xa4: {  	p1 =	sne.s32 s12, $0x13800;
	s12 =	sadd.s32 $0x400, s12;
	_ =	swait.ge [sflag:s0], $0x2000  }
0xa5: {  	[sflag:s0] =	ssyncset.done $0x0  }
0xa6: {  	[sflag:s0] =	ssyncadd.s32 $0xFFFFE000  }
0xa7: {  	[tilespmem:s30], [sflag:$0x3] =	stream.linear.gather [hbm4b:s13+s3], $0x80, $0x38;
	[tilespmem:$0x1CA80] =	vst v63  }
0xa8: {  	_ =	swait.ge [sflag:s1], $0x80  }
0xa9: {  	[sflag:s1] =	ssyncset.done $0x0  }
0xaa: {  	[sflag:s1] =	ssyncadd.s32 $0xFFFFFF80  }
0xab: {  	[tilespmem:s6], [sflag:$0x2] =	stream.indirect.gather [hbm4b:s5+s29], $0x80, s31, s29, $0xb8;
	[tilespmem:$0x1CA80] =	vst v63  }
0xac: {  	s14 =	sshra.s32 s14, $0x2  }
0xad: {  	[spmem:s2] =	stream.indirect.scatter.add.f32 [tilespmem:s25], [sflag:$0x5], $0x80, s14, s29, $0xb8;
	[tilespmem:$0x1CA80] =	vst v63  }
0xae: {  	_ =	swait.ge [sflag:s26], $0x2000  }
0xaf: {  	[sflag:s26] =	ssyncset.done $0x0  }
0xb0: {  	[sflag:s26] =	ssyncadd.s32 $0xFFFFE000  }
0xb1: {  	_ =	swait.ge [sflag:s7], $0x80  }
0xb2: {  	[sflag:s7] =	ssyncset.done $0x0  }
0xb3: {  	[sflag:s7] =	ssyncadd.s32 $0xFFFFFF80  }
0xb4: {  	[tilespmem:s25], [sflag:$0x1] =	stream.indirect.gather [hbm4b:s5+s29], $0x80, s30, s29, $0xb8;
	[tilespmem:$0x1CA80] =	vst v63  }
0xb5: {  	_ =	swait.ge [sflag:s10], $0x2000  }
0xb6: {  	[sflag:s10] =	ssyncset.done $0x0  }
.Ltmp3:
0xb7: {  	s14 =	sadd.s32 $0x80, s14;
	[sflag:s10] =	ssyncadd.s32 $0xFFFFE000;
	(pc) =	sbr.rel @p1 .LBB2_8-.Ltmp3, $4  }
0xb8: {  	[spmem:s2] =	stream.indirect.scatter.add.f32 [tilespmem:s6], [sflag:$0x5], $0x80, s14, s29, $0xb8;
	[tilespmem:$0x1CA80] =	vst v63  }
0xb9: {  	_ =	swait.ge [sflag:s26], $0x2000  }
0xba: {  	[sflag:s26] =	ssyncset.done $0x0  }
0xbb: {  	s14 =	sadd.s32 $0x10, s13;
	s13 =	sadd.s32 $0x20, s13;
	[sflag:s26] =	ssyncadd.s32 $0xFFFFE000  }
0xbc: {  	[tilespmem:s31], [sflag:$0x4] =	stream.linear.gather [hbm4b:s14+s3], $0x80, $0x38;
	[tilespmem:$0x1CA80] =	vst v63  }
0xbd: {  	_ =	swait.ge [sflag:s0], $0x2000  }
0xbe: {  	[sflag:s0] =	ssyncset.done $0x0  }
0xbf: {  	s12 =	simm.s32 $0x0;
	[sflag:s0] =	ssyncadd.s32 $0xFFFFE000  }
0xc0: {  	[tilespmem:s30], [sflag:$0x3] =	stream.linear.gather [hbm4b:s8+s12], $0x80, $0x38;
	[tilespmem:$0x1CA80] =	vst v63  }
0xc1: {  	_ =	swait.ge [sflag:s1], $0x80  }
0xc2: {  	[sflag:s1] =	ssyncset.done $0x0  }
0xc3: {  	[sflag:s1] =	ssyncadd.s32 $0xFFFFFF80  }
0xc4: {  	[tilespmem:s6], [sflag:$0x2] =	stream.indirect.gather [hbm4b:s5+s29], $0x80, s31, s29, $0xb8;
	[tilespmem:$0x1CA80] =	vst v63  }
0xc5: {  	s13 =	simm.s32 $0x4F00  }
0xc6: {  	[spmem:s2] =	stream.indirect.scatter.add.f32 [tilespmem:s25], [sflag:$0x5], $0x80, s13, s29, $0xb8;
	[tilespmem:$0x1CA80] =	vst v63  }
0xc7: {  	_ =	swait.ge [sflag:s26], $0x2000  }
0xc8: {  	[sflag:s26] =	ssyncset.done $0x0  }
0xc9: {  	[sflag:s26] =	ssyncadd.s32 $0xFFFFE000  }
0xca: {  	_ =	swait.ge [sflag:s7], $0x80  }
0xcb: {  	[sflag:s7] =	ssyncset.done $0x0  }
0xcc: {  	[sflag:s7] =	ssyncadd.s32 $0xFFFFFF80  }
0xcd: {  	[tilespmem:s25], [sflag:$0x1] =	stream.indirect.gather [hbm4b:s5+s29], $0x80, s30, s29, $0xb8;
	[tilespmem:$0x1CA80] =	vst v63  }
0xce: {  	_ =	swait.ge [sflag:s10], $0x2000  }
0xcf: {  	[sflag:s10] =	ssyncset.done $0x0  }
0xd0: {  	s15 =	simm.s32 $0x4F80;
	[sflag:s10] =	ssyncadd.s32 $0xFFFFE000  }
0xd1: {  	[spmem:s2] =	stream.indirect.scatter.add.f32 [tilespmem:s6], [sflag:$0x5], $0x80, s15, s29, $0xb8;
	[tilespmem:$0x1CA80] =	vst v63  }
0xd2: {  	_ =	swait.ge [sflag:s26], $0x2000  }
0xd3: {  	[sflag:s26] =	ssyncset.done $0x0  }
0xd4: {  	[sflag:s26] =	ssyncadd.s32 $0xFFFFE000  }
0xd5: {  	[tilespmem:s31], [sflag:$0x4] =	stream.linear.gather [hbm4b:s8+s12], $0x80, $0x38;
	[tilespmem:$0x1CA80] =	vst v63  }
0xd6: {  	_ =	swait.ge [sflag:s0], $0x2000  }
0xd7: {  	[sflag:s0] =	ssyncset.done $0x0  }
0xd8: {  	[sflag:s0] =	ssyncadd.s32 $0xFFFFE000  }
0xd9: {  	_ =	swait.ge [sflag:s1], $0x80  }
0xda: {  	[sflag:s1] =	ssyncset.done $0x0  }
0xdb: {  	[sflag:s1] =	ssyncadd.s32 $0xFFFFFF80  }
0xdc: {  	s16 =	sadd.s32 $0x0, s23;
	[bflag:$0x0] =	sbarrier.arrive $0xFFFF  }
0xdd: {  	[tilespmem:s28], [sflag:$0x5] =	stream.linear.gather [hbm4b:s16+s3], $0x40, $0x38;
	[tilespmem:$0x1CA80] =	vst v63  }
0xde: {  	_ =	swait.ge [sflag:s26], $0x40  }
0xdf: {  	[sflag:s26] =	ssyncset.done $0x0  }
0xe0: {  	[sflag:s26] =	ssyncadd.s32 $0xFFFFFFC0  }
0xe1: {  	[tilespmem:s6], [sflag:$0x5] =	stream.indirect.gather [spmem:s2], $0x80, s28, s29, $0xb8;
	[tilespmem:$0x1CA80] =	vst v63  }
0xe2: {  	_ =	swait.ge [sflag:s26], $0x2000  }
0xe3: {  	[sflag:s26] =	ssyncset.done $0x0  }
0xe4: {  	[sflag:s26] =	ssyncadd.s32 $0xFFFFE000  }
0xe5: {  	[hbm4b:s24+s3] =	stream.linear.scatter [tilespmem:s6], [sflag:$0x5], $0x2000, $0x38;
	[tilespmem:$0x1CA80] =	vst v63  }
0xe6: {  	s14 =	simm.s32 $0x10;
	_ =	swait.ge [sflag:s26], $0x2000  }
0xe7: {  	s13 =	simm.s32 $0x8;
	s12 =	sadd.s32 $0x400, s24;
	[sflag:s26] =	ssyncset.done $0x0  }
.LBB2_10:
0xe8: {  	s15 =	sadd.s32 s13, s23  }
0xe9: {  	[sflag:s26] =	ssyncadd.s32 $0xFFFFE000;
	s13 =	smov.u32 s14;
	s16 =	sadd.s32 $0x8, s14  }
0xea: {  	[tilespmem:s28], [sflag:$0x5] =	stream.linear.gather [hbm4b:s15+s3], $0x40, $0x38;
	[tilespmem:$0x1CA80] =	vst v63  }
0xeb: {  	p1 =	sne.s32 s14, $0x48;
	_ =	swait.ge [sflag:s26], $0x40  }
0xec: {  	[sflag:s26] =	ssyncset.done $0x0  }
0xed: {  	[sflag:s26] =	ssyncadd.s32 $0xFFFFFFC0  }
0xee: {  	[tilespmem:s6], [sflag:$0x5] =	stream.indirect.gather [spmem:s2], $0x80, s28, s29, $0xb8;
	[tilespmem:$0x1CA80] =	vst v63  }
0xef: {  	_ =	swait.ge [sflag:s26], $0x2000  }
.Ltmp4:
0xf0: {  	[sflag:s26] =	ssyncset.done $0x0;
	(pc) =	sbr.rel @p1 .LBB2_10-.Ltmp4, $4  }
0xf1: {  	[sflag:s26] =	ssyncadd.s32 $0xFFFFE000  }
0xf2: {  	[hbm4b:s12+s3] =	stream.linear.scatter [tilespmem:s6], [sflag:$0x5], $0x2000, $0x38;
	[tilespmem:$0x1CA80] =	vst v63  }
0xf3: {  	_ =	swait.ge [sflag:s26], $0x2000  }
0xf4: {  	s14 =	smov.u32 s16;
	s12 =	sadd.s32 $0x400, s12;
	[sflag:s26] =	ssyncset.done $0x0  }
.Ltmp5:
0xf5: {  	_ = 	snop;
	(pc) =	sbr.rel .LBB2_11-.Ltmp5, $1  }
0xf6: {  	_ =	sdelay $0x3  }
.LBB2_2:
0xf7: {  	[tilespmem:s28], [sflag:$0x5] =	stream.linear.gather [hbm4b:s9+s12], $0x40, $0x38;
	[tilespmem:$0x1CA80] =	vst v63  }
0xf8: {  	_ =	swait.ge [sflag:s26], $0x40  }
0xf9: {  	[sflag:s26] =	ssyncset.done $0x0  }
0xfa: {  	[sflag:s26] =	ssyncadd.s32 $0xFFFFFFC0  }
0xfb: {  	[spmem:s2] =	stream.indirect.scatter [tilespmem:s25], [sflag:$0x5], $0x80, s28, s29, $0xb8;
	[tilespmem:$0x1CA80] =	vst v63  }
0xfc: {  	_ =	swait.ge [sflag:s26], $0x2000  }
0xfd: {  	[sflag:s26] =	ssyncset.done $0x0  }
0xfe: {  	s13 =	rddreg [dreg:$0x8];
	[sflag:s26] =	ssyncadd.s32 $0xFFFFE000  }
0xff: {  	[tilespmem:s28], [sflag:$0x5] =	stream.linear.gather [hbm4b:s13+s12], $0x40, $0x38;
	[tilespmem:$0x1CA80] =	vst v63  }
0x100: {  	_ =	swait.ge [sflag:s26], $0x40  }
0x101: {  	[sflag:s26] =	ssyncset.done $0x0  }
0x102: {  	[sflag:s26] =	ssyncadd.s32 $0xFFFFFFC0  }
0x103: {  	[spmem:s2] =	stream.indirect.scatter [tilespmem:s25], [sflag:$0x5], $0x80, s28, s29, $0xb8;
	[tilespmem:$0x1CA80] =	vst v63  }
0x104: {  	_ =	swait.ge [sflag:s26], $0x2000  }
0x105: {  	[sflag:s26] =	ssyncset.done $0x0  }
0x106: {  	s16 =	rddreg [dreg:$0x9];
	[sflag:s26] =	ssyncadd.s32 $0xFFFFE000  }
0x107: {  	[tilespmem:s28], [sflag:$0x5] =	stream.linear.gather [hbm4b:s16+s12], $0x40, $0x38;
	[tilespmem:$0x1CA80] =	vst v63  }
0x108: {  	_ =	swait.ge [sflag:s26], $0x40  }
0x109: {  	[sflag:s26] =	ssyncset.done $0x0  }
0x10a: {  	[sflag:s26] =	ssyncadd.s32 $0xFFFFFFC0  }
0x10b: {  	[spmem:s2] =	stream.indirect.scatter [tilespmem:s25], [sflag:$0x5], $0x80, s28, s29, $0xb8;
	[tilespmem:$0x1CA80] =	vst v63  }
0x10c: {  	_ =	swait.ge [sflag:s26], $0x2000  }
0x10d: {  	[sflag:s26] =	ssyncset.done $0x0  }
0x10e: {  	s14 =	rddreg [dreg:$0xa];
	[sflag:s26] =	ssyncadd.s32 $0xFFFFE000  }
0x10f: {  	[tilespmem:s28], [sflag:$0x5] =	stream.linear.gather [hbm4b:s14+s12], $0x40, $0x38;
	[tilespmem:$0x1CA80] =	vst v63  }
0x110: {  	_ =	swait.ge [sflag:s26], $0x40  }
0x111: {  	[sflag:s26] =	ssyncset.done $0x0  }
0x112: {  	[sflag:s26] =	ssyncadd.s32 $0xFFFFFFC0  }
0x113: {  	[spmem:s2] =	stream.indirect.scatter [tilespmem:s25], [sflag:$0x5], $0x80, s28, s29, $0xb8;
	[tilespmem:$0x1CA80] =	vst v63  }
0x114: {  	_ =	swait.ge [sflag:s26], $0x2000  }
0x115: {  	[sflag:s26] =	ssyncset.done $0x0  }
0x116: {  	s15 =	rddreg [dreg:$0xb];
	[sflag:s26] =	ssyncadd.s32 $0xFFFFE000  }
0x117: {  	[tilespmem:s28], [sflag:$0x5] =	stream.linear.gather [hbm4b:s15+s12], $0x40, $0x38;
	[tilespmem:$0x1CA80] =	vst v63  }
0x118: {  	_ =	swait.ge [sflag:s26], $0x40  }
0x119: {  	[sflag:s26] =	ssyncset.done $0x0  }
0x11a: {  	[sflag:s26] =	ssyncadd.s32 $0xFFFFFFC0  }
0x11b: {  	[spmem:s2] =	stream.indirect.scatter [tilespmem:s25], [sflag:$0x5], $0x80, s28, s29, $0xb8;
	[tilespmem:$0x1CA80] =	vst v63  }
0x11c: {  	_ =	swait.ge [sflag:s26], $0x2000  }
0x11d: {  	[sflag:s26] =	ssyncset.done $0x0  }
0x11e: {  	s16 =	rddreg [dreg:$0xc];
	[sflag:s26] =	ssyncadd.s32 $0xFFFFE000  }
0x11f: {  	[tilespmem:s28], [sflag:$0x5] =	stream.linear.gather [hbm4b:s16+s12], $0x40, $0x38;
	[tilespmem:$0x1CA80] =	vst v63  }
0x120: {  	_ =	swait.ge [sflag:s26], $0x40  }
0x121: {  	[sflag:s26] =	ssyncset.done $0x0  }
0x122: {  	[sflag:s26] =	ssyncadd.s32 $0xFFFFFFC0  }
0x123: {  	[spmem:s2] =	stream.indirect.scatter [tilespmem:s25], [sflag:$0x5], $0x80, s28, s29, $0xb8;
	[tilespmem:$0x1CA80] =	vst v63  }
0x124: {  	_ =	swait.ge [sflag:s26], $0x2000  }
0x125: {  	[sflag:s26] =	ssyncset.done $0x0  }
0x126: {  	[sflag:s26] =	ssyncadd.s32 $0xFFFFE000  }
0x127: {  	[tilespmem:s28], [sflag:$0x5] =	stream.linear.gather [hbm4b:s17+s12], $0x40, $0x38;
	[tilespmem:$0x1CA80] =	vst v63  }
0x128: {  	_ =	swait.ge [sflag:s26], $0x40  }
0x129: {  	[sflag:s26] =	ssyncset.done $0x0  }
0x12a: {  	[sflag:s26] =	ssyncadd.s32 $0xFFFFFFC0  }
0x12b: {  	[spmem:s2] =	stream.indirect.scatter [tilespmem:s25], [sflag:$0x5], $0x80, s28, s29, $0xb8;
	[tilespmem:$0x1CA80] =	vst v63  }
0x12c: {  	_ =	swait.ge [sflag:s26], $0x2000  }
0x12d: {  	[sflag:s26] =	ssyncset.done $0x0  }
0x12e: {  	[sflag:s26] =	ssyncadd.s32 $0xFFFFE000  }
0x12f: {  	[tilespmem:s28], [sflag:$0x5] =	stream.linear.gather [hbm4b:s18+s12], $0x40, $0x38;
	[tilespmem:$0x1CA80] =	vst v63  }
0x130: {  	_ =	swait.ge [sflag:s26], $0x40  }
0x131: {  	[sflag:s26] =	ssyncset.done $0x0  }
0x132: {  	[sflag:s26] =	ssyncadd.s32 $0xFFFFFFC0  }
0x133: {  	[spmem:s2] =	stream.indirect.scatter [tilespmem:s25], [sflag:$0x5], $0x80, s28, s29, $0xb8;
	[tilespmem:$0x1CA80] =	vst v63  }
0x134: {  	_ =	swait.ge [sflag:s26], $0x2000  }
0x135: {  	[sflag:s26] =	ssyncset.done $0x0  }
0x136: {  	[sflag:s26] =	ssyncadd.s32 $0xFFFFE000  }
0x137: {  	[tilespmem:s28], [sflag:$0x5] =	stream.linear.gather [hbm4b:s19+s12], $0x40, $0x38;
	[tilespmem:$0x1CA80] =	vst v63  }
0x138: {  	_ =	swait.ge [sflag:s26], $0x40  }
0x139: {  	[sflag:s26] =	ssyncset.done $0x0  }
0x13a: {  	[sflag:s26] =	ssyncadd.s32 $0xFFFFFFC0  }
0x13b: {  	[spmem:s2] =	stream.indirect.scatter [tilespmem:s25], [sflag:$0x5], $0x80, s28, s29, $0xb8;
	[tilespmem:$0x1CA80] =	vst v63  }
0x13c: {  	_ =	swait.ge [sflag:s26], $0x2000  }
0x13d: {  	[sflag:s26] =	ssyncset.done $0x0  }
0x13e: {  	[sflag:s26] =	ssyncadd.s32 $0xFFFFE000  }
0x13f: {  	[tilespmem:s28], [sflag:$0x5] =	stream.linear.gather [hbm4b:s21+s12], $0x40, $0x38;
	[tilespmem:$0x1CA80] =	vst v63  }
0x140: {  	_ =	swait.ge [sflag:s26], $0x40  }
0x141: {  	[sflag:s26] =	ssyncset.done $0x0  }
0x142: {  	[sflag:s26] =	ssyncadd.s32 $0xFFFFFFC0  }
0x143: {  	[spmem:s2] =	stream.indirect.scatter [tilespmem:s25], [sflag:$0x5], $0x80, s28, s29, $0xb8;
	[tilespmem:$0x1CA80] =	vst v63  }
0x144: {  	_ =	swait.ge [sflag:s26], $0x2000  }
0x145: {  	[sflag:s26] =	ssyncset.done $0x0  }
0x146: {  	[sflag:s26] =	ssyncadd.s32 $0xFFFFE000  }
0x147: {  	[bflag:$0x0] =	sbarrier.arrive $0xFFFF  }
0x148: {  	[tilespmem:s30], [sflag:$0x5] =	stream.linear.gather [hbm4b:s8+s12], $0x80, $0x38;
	[tilespmem:$0x1CA80] =	vst v63  }
0x149: {  	_ =	swait.ge [sflag:s26], $0x80  }
0x14a: {  	[sflag:s26] =	ssyncset.done $0x0  }
0x14b: {  	[sflag:s26] =	ssyncadd.s32 $0xFFFFFF80  }
0x14c: {  	[tilespmem:s25], [sflag:$0x1] =	stream.indirect.gather [hbm4b:s4+s29], $0x80, s30, s29, $0xb8;
	[tilespmem:$0x1CA80] =	vst v63  }
0x14d: {  	s14 =	rddreg [dreg:$0x6]  }
0x14e: {  	[tilespmem:s31], [sflag:$0x4] =	stream.linear.gather [hbm4b:s14+s12], $0x80, $0x38;
	[tilespmem:$0x1CA80] =	vst v63  }
0x14f: {  	_ =	swait.ge [sflag:s0], $0x2000  }
0x150: {  	[sflag:s0] =	ssyncset.done $0x0  }
0x151: {  	[sflag:s0] =	ssyncadd.s32 $0xFFFFE000  }
0x152: {  	[tilespmem:s30], [sflag:$0x3] =	stream.linear.gather [hbm4b:s22+s3], $0x80, $0x38;
	[tilespmem:$0x1CA80] =	vst v63  }
0x153: {  	_ =	swait.ge [sflag:s1], $0x80  }
0x154: {  	[sflag:s1] =	ssyncset.done $0x0  }
0x155: {  	[sflag:s1] =	ssyncadd.s32 $0xFFFFFF80  }
0x156: {  	[tilespmem:s6], [sflag:$0x2] =	stream.indirect.gather [hbm4b:s4+s29], $0x80, s31, s29, $0xb8;
	[tilespmem:$0x1CA80] =	vst v63  }
0x157: {  	s15 =	simm.s32 $0x0  }
0x158: {  	[spmem:s2] =	stream.indirect.scatter.add.f32 [tilespmem:s25], [sflag:$0x5], $0x80, s15, s29, $0xb8;
	[tilespmem:$0x1CA80] =	vst v63  }
0x159: {  	_ =	swait.ge [sflag:s26], $0x2000  }
0x15a: {  	[sflag:s26] =	ssyncset.done $0x0  }
0x15b: {  	[sflag:s26] =	ssyncadd.s32 $0xFFFFE000  }
0x15c: {  	_ =	swait.ge [sflag:s7], $0x80  }
0x15d: {  	[sflag:s7] =	ssyncset.done $0x0  }
0x15e: {  	[sflag:s7] =	ssyncadd.s32 $0xFFFFFF80  }
0x15f: {  	[tilespmem:s25], [sflag:$0x1] =	stream.indirect.gather [hbm4b:s4+s29], $0x80, s30, s29, $0xb8;
	[tilespmem:$0x1CA80] =	vst v63  }
0x160: {  	_ =	swait.ge [sflag:s10], $0x2000  }
0x161: {  	[sflag:s10] =	ssyncset.done $0x0  }
0x162: {  	s16 =	simm.s32 $0x80;
	[sflag:s10] =	ssyncadd.s32 $0xFFFFE000  }
0x163: {  	[spmem:s2] =	stream.indirect.scatter.add.f32 [tilespmem:s6], [sflag:$0x5], $0x80, s16, s29, $0xb8;
	[tilespmem:$0x1CA80] =	vst v63  }
0x164: {  	_ =	swait.ge [sflag:s26], $0x2000  }
0x165: {  	s13 =	sadd.s32 $0x20, s22;
	[sflag:s26] =	ssyncset.done $0x0  }
0x166: {  	s12 =	simm.s32 $0x400;
	s14 =	sadd.s32 $0x10, s22;
	[sflag:s26] =	ssyncadd.s32 $0xFFFFE000  }
.LBB2_3:
0x167: {  	[tilespmem:s31], [sflag:$0x4] =	stream.linear.gather [hbm4b:s14+s3], $0x80, $0x38;
	[tilespmem:$0x1CA80] =	vst v63  }
0x168: {  	s14 =	smov.u32 s12  }
0x169: {  	p1 =	sne.s32 s12, $0x13800;
	s12 =	sadd.s32 $0x400, s12;
	_ =	swait.ge [sflag:s0], $0x2000  }
0x16a: {  	[sflag:s0] =	ssyncset.done $0x0  }
0x16b: {  	[sflag:s0] =	ssyncadd.s32 $0xFFFFE000  }
0x16c: {  	[tilespmem:s30], [sflag:$0x3] =	stream.linear.gather [hbm4b:s13+s3], $0x80, $0x38;
	[tilespmem:$0x1CA80] =	vst v63  }
0x16d: {  	_ =	swait.ge [sflag:s1], $0x80  }
0x16e: {  	[sflag:s1] =	ssyncset.done $0x0  }
0x16f: {  	[sflag:s1] =	ssyncadd.s32 $0xFFFFFF80  }
0x170: {  	[tilespmem:s6], [sflag:$0x2] =	stream.indirect.gather [hbm4b:s4+s29], $0x80, s31, s29, $0xb8;
	[tilespmem:$0x1CA80] =	vst v63  }
0x171: {  	s14 =	sshra.s32 s14, $0x2  }
0x172: {  	[spmem:s2] =	stream.indirect.scatter.add.f32 [tilespmem:s25], [sflag:$0x5], $0x80, s14, s29, $0xb8;
	[tilespmem:$0x1CA80] =	vst v63  }
0x173: {  	_ =	swait.ge [sflag:s26], $0x2000  }
0x174: {  	[sflag:s26] =	ssyncset.done $0x0  }
0x175: {  	[sflag:s26] =	ssyncadd.s32 $0xFFFFE000  }
0x176: {  	_ =	swait.ge [sflag:s7], $0x80  }
0x177: {  	[sflag:s7] =	ssyncset.done $0x0  }
0x178: {  	[sflag:s7] =	ssyncadd.s32 $0xFFFFFF80  }
0x179: {  	[tilespmem:s25], [sflag:$0x1] =	stream.indirect.gather [hbm4b:s4+s29], $0x80, s30, s29, $0xb8;
	[tilespmem:$0x1CA80] =	vst v63  }
0x17a: {  	_ =	swait.ge [sflag:s10], $0x2000  }
0x17b: {  	[sflag:s10] =	ssyncset.done $0x0  }
.Ltmp6:
0x17c: {  	s14 =	sadd.s32 $0x80, s14;
	[sflag:s10] =	ssyncadd.s32 $0xFFFFE000;
	(pc) =	sbr.rel @p1 .LBB2_3-.Ltmp6, $4  }
0x17d: {  	[spmem:s2] =	stream.indirect.scatter.add.f32 [tilespmem:s6], [sflag:$0x5], $0x80, s14, s29, $0xb8;
	[tilespmem:$0x1CA80] =	vst v63  }
0x17e: {  	_ =	swait.ge [sflag:s26], $0x2000  }
0x17f: {  	[sflag:s26] =	ssyncset.done $0x0  }
0x180: {  	s14 =	sadd.s32 $0x10, s13;
	s13 =	sadd.s32 $0x20, s13;
	[sflag:s26] =	ssyncadd.s32 $0xFFFFE000  }
0x181: {  	[tilespmem:s31], [sflag:$0x4] =	stream.linear.gather [hbm4b:s14+s3], $0x80, $0x38;
	[tilespmem:$0x1CA80] =	vst v63  }
0x182: {  	_ =	swait.ge [sflag:s0], $0x2000  }
0x183: {  	[sflag:s0] =	ssyncset.done $0x0  }
0x184: {  	s12 =	simm.s32 $0x0;
	[sflag:s0] =	ssyncadd.s32 $0xFFFFE000  }
0x185: {  	[tilespmem:s30], [sflag:$0x3] =	stream.linear.gather [hbm4b:s8+s12], $0x80, $0x38;
	[tilespmem:$0x1CA80] =	vst v63  }
0x186: {  	_ =	swait.ge [sflag:s1], $0x80  }
0x187: {  	[sflag:s1] =	ssyncset.done $0x0  }
0x188: {  	[sflag:s1] =	ssyncadd.s32 $0xFFFFFF80  }
0x189: {  	[tilespmem:s6], [sflag:$0x2] =	stream.indirect.gather [hbm4b:s4+s29], $0x80, s31, s29, $0xb8;
	[tilespmem:$0x1CA80] =	vst v63  }
0x18a: {  	s13 =	simm.s32 $0x4F00  }
0x18b: {  	[spmem:s2] =	stream.indirect.scatter.add.f32 [tilespmem:s25], [sflag:$0x5], $0x80, s13, s29, $0xb8;
	[tilespmem:$0x1CA80] =	vst v63  }
0x18c: {  	_ =	swait.ge [sflag:s26], $0x2000  }
0x18d: {  	[sflag:s26] =	ssyncset.done $0x0  }
0x18e: {  	[sflag:s26] =	ssyncadd.s32 $0xFFFFE000  }
0x18f: {  	_ =	swait.ge [sflag:s7], $0x80  }
0x190: {  	[sflag:s7] =	ssyncset.done $0x0  }
0x191: {  	[sflag:s7] =	ssyncadd.s32 $0xFFFFFF80  }
0x192: {  	[tilespmem:s25], [sflag:$0x1] =	stream.indirect.gather [hbm4b:s4+s29], $0x80, s30, s29, $0xb8;
	[tilespmem:$0x1CA80] =	vst v63  }
0x193: {  	_ =	swait.ge [sflag:s10], $0x2000  }
0x194: {  	[sflag:s10] =	ssyncset.done $0x0  }
0x195: {  	s15 =	simm.s32 $0x4F80;
	[sflag:s10] =	ssyncadd.s32 $0xFFFFE000  }
0x196: {  	[spmem:s2] =	stream.indirect.scatter.add.f32 [tilespmem:s6], [sflag:$0x5], $0x80, s15, s29, $0xb8;
	[tilespmem:$0x1CA80] =	vst v63  }
0x197: {  	_ =	swait.ge [sflag:s26], $0x2000  }
0x198: {  	[sflag:s26] =	ssyncset.done $0x0  }
0x199: {  	[sflag:s26] =	ssyncadd.s32 $0xFFFFE000  }
0x19a: {  	[tilespmem:s31], [sflag:$0x4] =	stream.linear.gather [hbm4b:s8+s12], $0x80, $0x38;
	[tilespmem:$0x1CA80] =	vst v63  }
0x19b: {  	_ =	swait.ge [sflag:s0], $0x2000  }
0x19c: {  	[sflag:s0] =	ssyncset.done $0x0  }
0x19d: {  	[sflag:s0] =	ssyncadd.s32 $0xFFFFE000  }
0x19e: {  	_ =	swait.ge [sflag:s1], $0x80  }
0x19f: {  	[sflag:s1] =	ssyncset.done $0x0  }
0x1a0: {  	[sflag:s1] =	ssyncadd.s32 $0xFFFFFF80  }
0x1a1: {  	s16 =	sadd.s32 $0x0, s23;
	[bflag:$0x0] =	sbarrier.arrive $0xFFFF  }
0x1a2: {  	[tilespmem:s28], [sflag:$0x5] =	stream.linear.gather [hbm4b:s16+s3], $0x40, $0x38;
	[tilespmem:$0x1CA80] =	vst v63  }
0x1a3: {  	_ =	swait.ge [sflag:s26], $0x40  }
0x1a4: {  	[sflag:s26] =	ssyncset.done $0x0  }
0x1a5: {  	[sflag:s26] =	ssyncadd.s32 $0xFFFFFFC0  }
0x1a6: {  	[tilespmem:s6], [sflag:$0x5] =	stream.indirect.gather [spmem:s2], $0x80, s28, s29, $0xb8;
	[tilespmem:$0x1CA80] =	vst v63  }
0x1a7: {  	_ =	swait.ge [sflag:s26], $0x2000  }
0x1a8: {  	[sflag:s26] =	ssyncset.done $0x0  }
0x1a9: {  	[sflag:s26] =	ssyncadd.s32 $0xFFFFE000  }
0x1aa: {  	[hbm4b:s20+s3] =	stream.linear.scatter [tilespmem:s6], [sflag:$0x5], $0x2000, $0x38;
	[tilespmem:$0x1CA80] =	vst v63  }
0x1ab: {  	s14 =	simm.s32 $0x10;
	_ =	swait.ge [sflag:s26], $0x2000  }
0x1ac: {  	s13 =	simm.s32 $0x8;
	s12 =	sadd.s32 $0x400, s20;
	[sflag:s26] =	ssyncset.done $0x0  }
.LBB2_5:
0x1ad: {  	s15 =	sadd.s32 s13, s23  }
0x1ae: {  	[sflag:s26] =	ssyncadd.s32 $0xFFFFE000;
	s13 =	smov.u32 s14;
	s16 =	sadd.s32 $0x8, s14  }
0x1af: {  	[tilespmem:s28], [sflag:$0x5] =	stream.linear.gather [hbm4b:s15+s3], $0x40, $0x38;
	[tilespmem:$0x1CA80] =	vst v63  }
0x1b0: {  	p1 =	seq.s32 s14, $0x48;
	_ =	swait.ge [sflag:s26], $0x40  }
0x1b1: {  	[sflag:s26] =	ssyncset.done $0x0  }
0x1b2: {  	[sflag:s26] =	ssyncadd.s32 $0xFFFFFFC0  }
0x1b3: {  	[tilespmem:s6], [sflag:$0x5] =	stream.indirect.gather [spmem:s2], $0x80, s28, s29, $0xb8;
	[tilespmem:$0x1CA80] =	vst v63  }
0x1b4: {  	_ =	swait.ge [sflag:s26], $0x2000  }
.Ltmp7:
0x1b5: {  	[sflag:s26] =	ssyncset.done $0x0;
	(pc) =	sbr.rel @!p1 .LBB2_5-.Ltmp7, $4  }
0x1b6: {  	[sflag:s26] =	ssyncadd.s32 $0xFFFFE000  }
0x1b7: {  	[hbm4b:s12+s3] =	stream.linear.scatter [tilespmem:s6], [sflag:$0x5], $0x2000, $0x38;
	[tilespmem:$0x1CA80] =	vst v63  }
0x1b8: {  	_ =	swait.ge [sflag:s26], $0x2000  }
0x1b9: {  	s14 =	smov.u32 s16;
	s12 =	sadd.s32 $0x400, s12;
	[sflag:s26] =	ssyncset.done $0x0  }
0x1ba: {  	s13 =	sadd.s32 s13, s23;
	[sflag:s26] =	ssyncadd.s32 $0xFFFFE000  }
0x1bb: {  	[tilespmem:s28], [sflag:$0x5] =	stream.linear.gather [hbm4b:s13+s3], $0x40, $0x38;
	[tilespmem:$0x1CA80] =	vst v63  }
0x1bc: {  	_ =	swait.ge [sflag:s26], $0x40  }
0x1bd: {  	[sflag:s26] =	ssyncset.done $0x0  }
0x1be: {  	[sflag:s26] =	ssyncadd.s32 $0xFFFFFFC0  }
0x1bf: {  	[tilespmem:s6], [sflag:$0x5] =	stream.indirect.gather [spmem:s2], $0x80, s28, s29, $0xb8;
	[tilespmem:$0x1CA80] =	vst v63  }
0x1c0: {  	_ =	swait.ge [sflag:s26], $0x2000  }
0x1c1: {  	[sflag:s26] =	ssyncset.done $0x0  }
.Ltmp8:
0x1c2: {  	[sflag:s26] =	ssyncadd.s32 $0xFFFFE000;
	(pc) =	sbr.rel .LBB2_12-.Ltmp8, $4  }
0x1c3: {  	[hbm4b:s12+s3] =	stream.linear.scatter [tilespmem:s6], [sflag:$0x5], $0x2000, $0x38;
	[tilespmem:$0x1CA80] =	vst v63  }
0x1c4: {  	_ =	swait.ge [sflag:s26], $0x2000  }
0x1c5: {  	[sflag:s26] =	ssyncset.done $0x0  }
0x1c6: {  	[sflag:s26] =	ssyncadd.s32 $0xFFFFE000  }
.LBB2_13:
0x1c7: {  	_ =	sfence.sel $0x180000  }
0x1c8: {  	[bflag:$0x0] =	sbarrier.arrive $0xFFFF  }
0x1c9: {  	_ =	strace $0x9000004A  }
0x1ca: {  	s0 =	stileid.u32;
	[bflag:$0x2] =	sbarrier.arrive $0xFFFF  }
0x1cb: {  	p0 =	sne.s32 s0, $0x0;
	s0 =	rddreg [dreg:$0x3]  }
0x1cc: {  	s0 =	sadd.s32 @!p0 $0x100000, s0  }
0x1cd: {  	[sflag:s0] =	ssyncadd.tile.s32 @!p0 $0x1;
	_ =	shalt  }
.Lfunc_end2:
_tile_overlayer_lowered:
.L_overlay_start_2:
0x1ce: {  	(tag) =	ssettag $0x2  }
0x1cf: {  	s0 =	rddreg [dreg:$0x0];
	s2 =	stileid.u32  }
0x1d0: {  	s1 =	rddreg [dreg:$0x1];
	p0 =	sne.s32 s2, $0x0  }
0x1d1: {  	s3 =	rddreg [dreg:$0x2];
	[bflag:$0x3] =	sbarrier.arrive $0xFFFF;
	s2 =	simm.s32 @!p0 $0x1C05  }
0x1d2: {  	[timem:s3], [sflag:s2] =	dma.local @!p0 [hbm:s0], s1  }
0x1d3: {  	s0 =	simm.s32 @!p0 $0x5  }
0x1d4: {  	_ =	swait.ge @!p0 [sflag:s0], s1  }
0x1d5: {  	s1 =	ssub.s32 @!p0 $0x0, s1;
	[sflag:s0] =	ssyncset.done @!p0 $0x0  }
0x1d6: {  	[sflag:s0] =	ssyncadd.s32 @!p0 s1  }
0x1d7: {  	[bflag:$0x3] =	sbarrier.arrive $0xFFFF  }
0x1d8: {  	_ =	shalt  }

// kernel: kernel.7.cloned.1.call-start
scs
__scs_entry_jumppad:
0x0: {  	(pc) =	sbr.rel $0x88, $3  }
0x1: {  	(tag) =	ssettag $0x0;
	lr =	simm.s32 $0x1  }
0x2: {  	[smem:$0x3F9B] =	sst lr;
	_ =	strace $0xD0000000  }
0x3: {  	_ = 	snop  }
0x4: {  	_ = 	snop  }
0x5: {  	_ = 	snop  }
0x6: {  	_ = 	snop  }
0x7: {  	_ = 	snop  }
__scs_overlays_trampoline_lowered:
0x8: {  	[smem:$0x3FAA] =	sst s0  }
0x9: {  	[smem:$0x3FAB] =	sst s1  }
0xa: {  	[smem:$0x3FAC] =	sst s2  }
0xb: {  	[smem:$0x3FAD] =	sst s3  }
0xc: {  	[smem:$0x3FAE] =	sst s4  }
0xd: {  	[smem:$0x3FAF] =	sst s5  }
0xe: {  	[smem:$0x3FB0] =	sst s6  }
0xf: {  	[smem:$0x3FB1] =	sst s7  }
0x10: {  	[smem:$0x3FB2] =	sst s8  }
0x11: {  	[smem:$0x3FB3] =	sst s9;
	s0 =	simm.s32 @!p0 $0x0  }
0x12: {  	s1 =	sld [smem:$0x3F99];
	s0 =	simm.s32 @p0 $0x1  }
0x13: {  	[smem:$0x3FB4] =	sst s0;
	s0 =	simm.s32 @!p1 $0x0  }
0x14: {  	s2 =	sld [smem:$0x3F98];
	s0 =	simm.s32 @p1 $0x1  }
0x15: {  	[smem:$0x3FB5] =	sst s0;
	s0 =	simm.s32 @!p2 $0x0  }
0x16: {  	s3 =	sld [smem:$0x3FDB];
	s0 =	simm.s32 @p2 $0x1  }
0x17: {  	s4 =	simm.s32 $0x1BF5;
	[smem:$0x3FB7] =	sst s0  }
0x18: {  	s0 =	sld [smem:$0x3F9A];
	_ =	swait.ge [sflag:s4], $0x0  }
0x19: {  	s7 =	sld [smem:$0x3F9B]  }
0x1a: {  	s8 =	sadd.s32 $0xFFFFE003, lr  }
0x1b: {  	s9 =	sadd.s32 $0xFFFFFEF7, lr;
	s5 =	simm.s32 $0xFFFFFFFF;
	p2 =	slt.u32 s8, $0xFFFFF086  }
0x1c: {  	p1 =	slt.u32 s9, $0xF7A;
	s5 =	simm.s32 @!p2 $0x0  }
0x1d: {  	s5 =	simm.s32 @p1 $0x1;
	p0 =	seq.s32 s7, s2  }
0x1e: {  	s7 =	smul.u32 @!p0 $0xF7A, s2;
	p2 =	seq.s32 @!p0 s5, $0x0  }
0x1f: {  	s9 =	smul.u32 $0xF7A, s1;
	s8 =	simm.s32 @!p0 $0x1BF5;
	p2 =	por !p2, p0  }
0x20: {  	[sflag:s8] =	ssyncset.s32 @!p0 $0xFFFFF086;
	s6 =	sadd.s32 @!p0 s3, s7;
	s7 =	simm.s32 @!p0 $0x108  }
0x21: {  	s3 =	sadd.s32 s3, s9;
	s6 =	sadd.s32 @!p0 $0x88, s6;
	s7 =	simm.s32 @p2 $0x1082  }
0x22: {  	[simem:s7], [sflag:s8] =	dma.local @!p0 [hbm:s6], $0xF7A  }
0x23: {  	s9 =	sor.u32 $0xD0000000, s2;
	s6 =	simm.s32 $0x108;
	_ =	swait.ge @!p0 [sflag:s8], $0x0  }
0x24: {  	s3 =	sadd.s32 $0x88, s3;
	s6 =	simm.s32 @!p1 $0x1082;
	[sflag:s4] =	ssyncset.s32 $0xFFFFF086  }
0x25: {  	[simem:s6], [sflag:s4] =	dma.local [hbm:s3], $0xF7A  }
0x26: {  	[smem:$0x3F9B] =	sst s1;
	(tag) =	ssettag s2;
	_ =	strace s9  }
0x27: {  	s1 =	sld [smem:$0x3FAB]  }
0x28: {  	s2 =	sld [smem:$0x3FAC]  }
0x29: {  	s4 =	sld [smem:$0x3FAE]  }
0x2a: {  	p0 =	seq.s32 s5, $0x0;
	s5 =	sld [smem:$0x3FAF]  }
0x2b: {  	s6 =	sld [smem:$0x3FB0]  }
0x2c: {  	s7 =	sld [smem:$0x3FB1]  }
0x2d: {  	s3 =	simm.s32 $0x108;
	s8 =	sld [smem:$0x3FB2]  }
0x2e: {  	s3 =	simm.s32 @!p0 $0x1082;
	s9 =	sld [smem:$0x3FB3]  }
0x2f: {  	lr =	sadd.s32 s0, s3;
	s0 =	sld [smem:$0x3FAA]  }
0x30: {  	s3 =	sld [smem:$0x3FAD]  }
0x31: {  	[smem:$0x3FB6] =	sst s10  }
0x32: {  	s10 =	sld [smem:$0x3FB4];
	_ =	sdelay $0x3  }
0x33: {  	p0 =	seq.s32 s10, $0x1;
	s10 =	sld [smem:$0x3FB6];
	_ =	sdelay $0x3  }
0x34: {  	[smem:$0x3FB6] =	sst s10  }
0x35: {  	s10 =	sld [smem:$0x3FB5];
	_ =	sdelay $0x3  }
0x36: {  	p1 =	seq.s32 s10, $0x1;
	s10 =	sld [smem:$0x3FB6];
	_ =	sdelay $0x3  }
0x37: {  	[smem:$0x3FB6] =	sst s10  }
0x38: {  	s10 =	sld [smem:$0x3FB7]  }
0x39: {  	_ = 	snop;
	(pc) =	sbr.ind lr, $3  }
0x3a: {  	_ = 	snop  }
0x3b: {  	_ = 	snop  }
0x3c: {  	p2 =	seq.s32 s10, $0x1;
	s10 =	sld [smem:$0x3FB6]  }
0x3d: {  	_ =	shalt  }
0x3e: {  	_ =	shalt  }
0x3f: {  	_ =	shalt  }
0x40: {  	_ =	shalt  }
0x41: {  	_ =	shalt  }
0x42: {  	_ =	shalt  }
0x43: {  	_ =	shalt  }
0x44: {  	_ =	shalt  }
0x45: {  	_ =	shalt  }
0x46: {  	_ =	shalt  }
0x47: {  	_ =	shalt  }
0x48: {  	_ =	shalt  }
0x49: {  	_ =	shalt  }
0x4a: {  	_ =	shalt  }
0x4b: {  	_ =	shalt  }
0x4c: {  	_ =	shalt  }
0x4d: {  	_ =	shalt  }
0x4e: {  	_ =	shalt  }
0x4f: {  	_ =	shalt  }
0x50: {  	_ =	shalt  }
0x51: {  	_ =	shalt  }
0x52: {  	_ =	shalt  }
0x53: {  	_ =	shalt  }
0x54: {  	_ =	shalt  }
0x55: {  	_ =	shalt  }
0x56: {  	_ =	shalt  }
0x57: {  	_ =	shalt  }
0x58: {  	_ =	shalt  }
0x59: {  	_ =	shalt  }
0x5a: {  	_ =	shalt  }
0x5b: {  	_ =	shalt  }
0x5c: {  	_ =	shalt  }
0x5d: {  	_ =	shalt  }
0x5e: {  	_ =	shalt  }
0x5f: {  	_ =	shalt  }
0x60: {  	_ =	shalt  }
0x61: {  	_ =	shalt  }
0x62: {  	_ =	shalt  }
0x63: {  	_ =	shalt  }
0x64: {  	_ =	shalt  }
0x65: {  	_ =	shalt  }
0x66: {  	_ =	shalt  }
0x67: {  	_ =	shalt  }
0x68: {  	_ =	shalt  }
0x69: {  	_ =	shalt  }
0x6a: {  	_ =	shalt  }
0x6b: {  	_ =	shalt  }
0x6c: {  	_ =	shalt  }
0x6d: {  	_ =	shalt  }
0x6e: {  	_ =	shalt  }
0x6f: {  	_ =	shalt  }
0x70: {  	_ =	shalt  }
0x71: {  	_ =	shalt  }
0x72: {  	_ =	shalt  }
0x73: {  	_ =	shalt  }
0x74: {  	_ =	shalt  }
0x75: {  	_ =	shalt  }
0x76: {  	_ =	shalt  }
0x77: {  	_ =	shalt  }
0x78: {  	_ =	shalt  }
0x79: {  	_ =	shalt  }
0x7a: {  	_ =	shalt  }
0x7b: {  	_ =	shalt  }
0x7c: {  	_ =	shalt  }
0x7d: {  	_ =	shalt  }
0x7e: {  	_ =	shalt  }
0x7f: {  	_ =	shalt  }
0x80: {  	_ =	shalt  }
0x81: {  	_ =	shalt  }
0x82: {  	_ =	shalt  }
0x83: {  	_ =	shalt  }
0x84: {  	_ =	shalt  }
0x85: {  	_ =	shalt  }
0x86: {  	_ =	shalt  }
0x87: {  	_ =	shalt  }
.Lfunc_end0:
.L_simem_size_0:
called_computation_lowered:
.L_overlay_start_0:
0x88: {  	s2 =	sld [smem:$0x3FD9]  }
0x89: {  	s3 =	sld [smem:$0x3FFE];
	_ =	sdelay $0x1  }
0x8a: {  	s1 =	srdreg.scid  }
0x8b: {  	s0 =	sand.u32 $0x1, s1  }
0x8c: {  	s16 =	sshll.u32 s0, $0xA;
	s2 =	sadd.s32 s3, s2  }
0x8d: {  	s2 =	sadd.s32 s2, s16  }
0x8e: {  	[smem:$0x3FC2] =	sst s2  }
0x8f: {  	_ = 	snop  }
0x90: {  	(tm) =	ssettm $0x1  }
0x91: {  	s17 =	sld [smem:$0x3FFB];
	_ =	sdelay $0x3  }
0x92: {  	_ =	strace s17  }
0x93: {  	s2 =	sld [smem:$0x3FFC];
	_ =	sdelay $0x3  }
0x94: {  	_ =	strace s2  }
0x95: {  	s2 =	sld [smem:$0x3FFD];
	_ =	sdelay $0x3  }
0x96: {  	_ =	strace s2  }
0x97: {  	_ =	strace $0x8FFFFFFF  }
0x98: {  	s18 =	sld [smem:$0x3FDB];
	_ =	sdelay $0x1  }
0x99: {  	s19 =	simm.s32 $_scs_section_size  }
0x9a: {  	s4 =	simm.s32 $_size__tile_overlayer_lowered;
	s5 =	simm.s32 $_tile_overlayer_lowered  }
0x9b: {  	s22 =	simm.s32 $0x1BFF;
	s21 =	sshll.u32 s5, $0x1;
	s2 =	sadd.s32 s19, s18  }
0x9c: {  	s6 =	simm.s32 $0x0;
	s20 =	sshll.u32 s4, $0x1;
	s4 =	sadd.s32 s21, s2  }
0x9d: {  	[timem:s6], [sflag:s22] =	dma.local [hbm:s4], s20  }
0x9e: {  	_ =	swait.ge [sflag:s22], s20  }
0x9f: {  	s3 =	ssub.s32 $0x0, s20;
	[sflag:s22] =	ssyncset.done $0x0  }
0xa0: {  	[sflag:s22] =	ssyncadd.s32 s3;
	_ =	sdelay $0x1  }
0xa1: {  	s23 =	simm.s32 $0x1B8B  }
0xa2: {  	_ =	swait.ge [sflag:s23], $0x1  }
0xa3: {  	[sflag:s23] =	ssyncset.done $0x0  }
0xa4: {  	s25 =	simm.s32 $0x1B8E;
	s24 =	sld [smem:$0x3FFE];
	[sflag:s23] =	ssyncadd.s32 $0xFFFFFFFF  }
0xa5: {  	s26 =	simm.s32 $execute0_lowered;
	[smem:$0x3FD2] =	sst s25  }
0xa6: {  	s4 =	sshll.u32 s26, $0x1;
	_ =	strace $0x80000046;
	[dreg:$0x1] =	wrdreg $0xFFFFFFFF  }
0xa7: {  	s28 =	simm.s32 $_size_execute0_lowered;
	s2 =	sadd.s32 s2, s4;
	[dreg:$0x0] =	wrdreg $0x0  }
0xa8: {  	s4 =	sshll.u32 s28, $0x1;
	[dreg:$0x2] =	wrdreg s2  }
0xa9: {  	[dreg:$0x3] =	wrdreg s4  }
0xaa: {  	[dreg:$0x4] =	wrdreg $0xC0  }
0xab: {  	_ =	task [dreg:s6], $0x5FFFF  }
0xac: {  	[dreg:$0x1] =	wrdreg $0xFFFFFFFF  }
0xad: {  	[dreg:$0x0] =	wrdreg $0x60  }
0xae: {  	[dreg:$0x2] =	wrdreg s24  }
0xaf: {  	[dreg:$0x3] =	wrdreg $0x68800  }
0xb0: {  	[dreg:$0x4] =	wrdreg $0x9  }
0xb1: {  	_ =	task.clear_ibuf [dreg:s6], $0x5FFFF;
	_ =	strace $0x90000046  }
0xb2: {  	s29 =	simm.s32 $0x9;
	_ =	strace $0x80000048  }
0xb3: {  	_ =	swait.ge [sflag:s29], $0x1  }
0xb4: {  	[sflag:s29] =	ssyncadd.s32 $0xFFFFFFFF  }
0xb5: {  	_ =	strace $0x90000048  }
0xb6: {  	_ =	sfence  }
0xb7: {  	s30 =	sld [smem:$0x0];
	_ =	sdelay $0x2  }
0xb8: {  	s31 =	sshll.u32 s1, $0xD;
	s1 =	sshrl.u32 s1, $0x2  }
0xb9: {  	s3 =	sand.u32 $0x4000, s31;
	s1 =	sadd.s32 s1, s30  }
0xba: {  	s0 =	sor.u32 s3, s0;
	s1 =	sshll.u32 s1, $0x11  }
0xbb: {  	s0 =	sor.u32 s1, s0  }
0xbc: {  	s0 =	sadd.s32 $0x8F2B, s0  }
0xbd: {  	[sflag:s0] =	ssyncadd.remote.s32 $0x1  }
0xbe: {  	_ =	sfence.sel $0xFFFF  }
0xbf: {  	[dreg:$0x0] =	wrdreg $0xFFFFFFFF;
	(pc) =	sbr.abs _section_cstart, $3  }
0xc0: {  	[dreg:$0x1] =	wrdreg $0xFFFFFFFF  }
0xc1: {  	_ =	task.clear_ibuf [dreg:s6], $0x2FFFF;
	_ =	strace $0x9FFFFFFF  }
0xc2: {  	(tm) =	ssettm $0x7FFFFFFF  }
0xc3: {  	_ =	shalt  }
tec
execute0_lowered:
.L_overlay_start_1:
0x0: {  	(tag) =	ssettag $0x1  }
0x1: {  	s6 =	rddreg [dreg:$0x0]  }
0x2: {  	s2 =	rddreg [dreg:$0x1];
	s3 =	simm.s32 $0x0  }
0x3: {  	s0 =	stileid.u32;
	s5 =	srdreg.scid;
	s23 =	simm.s32 $0x1  }
0x4: {  	s24 =	simm.s32 $0x4880;
	s25 =	simm.s32 $0x2800;
	s4 =	smul.u32 $0x500, s0  }
0x5: {  	s26 =	simm.s32 $0x40;
	s28 =	simm.s32 $0x0;
	s7 =	smul.u32 $0x2800, s0  }
0x6: {  	[smem:$0x7FF] =	sst s3;
	s9 =	sand.u32 $0x1, s5;
	s11 =	smul.u32 $0x280, s0  }
0x7: {  	s20 =	sadd.s32 $0xD000, s6;
	s5 =	sadd.s32 $0xD600, s6;
	s22 =	smul.u32 $0x50, s0  }
0x8: {  	_ =	strace $0x80000047;
	s10 =	ssub.s32 $0x2, s9;
	p0 =	seq.s32 s9, $0x1  }
0x9: {  	s8 =	sadd.s32 s4, s6;
	s4 =	sadd.s32 $0xDA00, s6;
	s12 =	sshrl.u32 s10, $0x1  }
0xa: {  	s21 =	sadd.s32 s7, s6;
	s31 =	sshrl.u32 s11, $0x3;
	s10 =	ssub.s32 s10, s12  }
0xb: {  	s6 =	sadd.s32 $0x3000, s8;
	s7 =	sadd.s32 s20, s31;
	s8 =	sadd.s32 $0x8000, s8  }
.Ltmp0:
0xc: {  	s19 =	sadd.s32 $0xDE00, s21;
	s20 =	sadd.s32 s22, s20;
	(pc) =	sbr.rel .LBB2_1-.Ltmp0, $4  }
0xd: {  	s21 =	sadd.s32 $0x35E00, s21;
	s22 =	simm.s32 $0x2880;
	s9 =	smax.u32 s10, $0x1  }
0xe: {  	s10 =	sadd.s32 $0x8, s7;
	s11 =	sadd.s32 $0x10, s7;
	s12 =	sadd.s32 $0x18, s7  }
0xf: {  	s13 =	sadd.s32 $0x20, s7;
	s14 =	sadd.s32 $0x28, s7;
	s15 =	sadd.s32 $0x30, s7  }
0x10: {  	s16 =	sadd.s32 $0x38, s7;
	s17 =	sadd.s32 $0x40, s7;
	s18 =	sadd.s32 $0x48, s7  }
.LBB2_11:
0x11: {  	s0 =	sadd.s32 s30, s20;
	[sflag:s23] =	ssyncadd.s32 $0xFFFFE000  }
0x12: {  	[tilespmem:s25], [sflag:$0x1] =	stream.linear.gather [hbm4b:s0+s3], $0x40, $0x38;
	[tilespmem:$0x1A180] =	vst v63  }
0x13: {  	_ =	swait.ge [sflag:s23], $0x40  }
0x14: {  	[sflag:s23] =	ssyncset.done $0x0  }
0x15: {  	[sflag:s23] =	ssyncadd.s32 $0xFFFFFFC0  }
0x16: {  	[tilespmem:s24], [sflag:$0x1] =	stream.indirect.gather [spmem:s2], $0x80, s25, s26, $0xb8;
	[tilespmem:$0x1A180] =	vst v63  }
0x17: {  	_ =	swait.ge [sflag:s23], $0x2000  }
0x18: {  	[sflag:s23] =	ssyncset.done $0x0  }
0x19: {  	[sflag:s23] =	ssyncadd.s32 $0xFFFFE000  }
0x1a: {  	[hbm4b:s29+s3] =	stream.linear.scatter [tilespmem:s24], [sflag:$0x1], $0x2000, $0x38;
	[tilespmem:$0x1A180] =	vst v63  }
0x1b: {  	_ =	swait.ge [sflag:s23], $0x2000  }
0x1c: {  	[sflag:s23] =	ssyncset.done $0x0  }
0x1d: {  	[sflag:s23] =	ssyncadd.s32 $0xFFFFE000  }
.LBB2_12:
0x1e: {  	s28 =	sadd.s32 $0x1, s28  }
0x1f: {  	p1 =	sne.s32 s28, s9  }
.Ltmp1:
0x20: {  	_ = 	snop;
	(pc) =	sbr.rel @!p1 .LBB2_13-.Ltmp1, $1  }
0x21: {  	_ =	sdelay $0x3  }
.LBB2_1:
0x22: {  	[tilespmem:s22], [sflag:$0x1] =	stream.linear.gather [hbm4b:s4+s3], $0x2000, $0x38;
	[tilespmem:$0x1A180] =	vst v63  }
0x23: {  	_ =	swait.ge [sflag:s23], $0x2000  }
0x24: {  	[sflag:s23] =	ssyncset.done $0x0  }
.Ltmp2:
0x25: {  	[sflag:s23] =	ssyncadd.s32 $0xFFFFE000;
	(pc) =	sbr.rel @!p0 .LBB2_2-.Ltmp2, $4  }
0x26: {  	[tilespmem:s24], [sflag:$0x1] =	stream.linear.gather [hbm4b:s5+s3], $0x2000, $0x38;
	[tilespmem:$0x1A180] =	vst v63  }
0x27: {  	_ =	swait.ge [sflag:s23], $0x2000  }
0x28: {  	[sflag:s23] =	ssyncset.done $0x0  }
0x29: {  	s29 =	simm.s32 $0x0;
	[sflag:s23] =	ssyncadd.s32 $0xFFFFE000  }
0x2a: {  	[tilespmem:s29], [sflag:$0x1] =	stream.linear.gather [hbm4b:s8+s29], $0x2800, $0x38;
	[tilespmem:$0x1A180] =	vst v63  }
0x2b: {  	_ =	swait.ge [sflag:s23], $0x2800  }
0x2c: {  	[sflag:s23] =	ssyncset.done $0x0  }
0x2d: {  	[sflag:s23] =	ssyncadd.s32 $0xFFFFD800  }
0x2e: {  	[tilespmem:s25], [sflag:$0x1] =	stream.linear.gather [hbm4b:s7+s29], $0x40, $0x38;
	[tilespmem:$0x1A180] =	vst v63  }
0x2f: {  	_ =	swait.ge [sflag:s23], $0x40  }
0x30: {  	[sflag:s23] =	ssyncset.done $0x0  }
0x31: {  	[sflag:s23] =	ssyncadd.s32 $0xFFFFFFC0  }
0x32: {  	[spmem:s2] =	stream.indirect.scatter [tilespmem:s24], [sflag:$0x1], $0x80, s25, s26, $0xb8;
	[tilespmem:$0x1A180] =	vst v63  }
0x33: {  	_ =	swait.ge [sflag:s23], $0x2000  }
0x34: {  	[sflag:s23] =	ssyncset.done $0x0  }
0x35: {  	[sflag:s23] =	ssyncadd.s32 $0xFFFFE000  }
0x36: {  	[tilespmem:s25], [sflag:$0x1] =	stream.linear.gather [hbm4b:s10+s29], $0x40, $0x38;
	[tilespmem:$0x1A180] =	vst v63  }
0x37: {  	_ =	swait.ge [sflag:s23], $0x40  }
0x38: {  	[sflag:s23] =	ssyncset.done $0x0  }
0x39: {  	[sflag:s23] =	ssyncadd.s32 $0xFFFFFFC0  }
0x3a: {  	[spmem:s2] =	stream.indirect.scatter [tilespmem:s24], [sflag:$0x1], $0x80, s25, s26, $0xb8;
	[tilespmem:$0x1A180] =	vst v63  }
0x3b: {  	_ =	swait.ge [sflag:s23], $0x2000  }
0x3c: {  	[sflag:s23] =	ssyncset.done $0x0  }
0x3d: {  	[sflag:s23] =	ssyncadd.s32 $0xFFFFE000  }
0x3e: {  	[tilespmem:s25], [sflag:$0x1] =	stream.linear.gather [hbm4b:s11+s29], $0x40, $0x38;
	[tilespmem:$0x1A180] =	vst v63  }
0x3f: {  	_ =	swait.ge [sflag:s23], $0x40  }
0x40: {  	[sflag:s23] =	ssyncset.done $0x0  }
0x41: {  	[sflag:s23] =	ssyncadd.s32 $0xFFFFFFC0  }
0x42: {  	[spmem:s2] =	stream.indirect.scatter [tilespmem:s24], [sflag:$0x1], $0x80, s25, s26, $0xb8;
	[tilespmem:$0x1A180] =	vst v63  }
0x43: {  	_ =	swait.ge [sflag:s23], $0x2000  }
0x44: {  	[sflag:s23] =	ssyncset.done $0x0  }
0x45: {  	[sflag:s23] =	ssyncadd.s32 $0xFFFFE000  }
0x46: {  	[tilespmem:s25], [sflag:$0x1] =	stream.linear.gather [hbm4b:s12+s29], $0x40, $0x38;
	[tilespmem:$0x1A180] =	vst v63  }
0x47: {  	_ =	swait.ge [sflag:s23], $0x40  }
0x48: {  	[sflag:s23] =	ssyncset.done $0x0  }
0x49: {  	[sflag:s23] =	ssyncadd.s32 $0xFFFFFFC0  }
0x4a: {  	[spmem:s2] =	stream.indirect.scatter [tilespmem:s24], [sflag:$0x1], $0x80, s25, s26, $0xb8;
	[tilespmem:$0x1A180] =	vst v63  }
0x4b: {  	_ =	swait.ge [sflag:s23], $0x2000  }
0x4c: {  	[sflag:s23] =	ssyncset.done $0x0  }
0x4d: {  	[sflag:s23] =	ssyncadd.s32 $0xFFFFE000  }
0x4e: {  	[tilespmem:s25], [sflag:$0x1] =	stream.linear.gather [hbm4b:s13+s29], $0x40, $0x38;
	[tilespmem:$0x1A180] =	vst v63  }
0x4f: {  	_ =	swait.ge [sflag:s23], $0x40  }
0x50: {  	[sflag:s23] =	ssyncset.done $0x0  }
0x51: {  	[sflag:s23] =	ssyncadd.s32 $0xFFFFFFC0  }
0x52: {  	[spmem:s2] =	stream.indirect.scatter [tilespmem:s24], [sflag:$0x1], $0x80, s25, s26, $0xb8;
	[tilespmem:$0x1A180] =	vst v63  }
0x53: {  	_ =	swait.ge [sflag:s23], $0x2000  }
0x54: {  	[sflag:s23] =	ssyncset.done $0x0  }
0x55: {  	[sflag:s23] =	ssyncadd.s32 $0xFFFFE000  }
0x56: {  	[tilespmem:s25], [sflag:$0x1] =	stream.linear.gather [hbm4b:s14+s29], $0x40, $0x38;
	[tilespmem:$0x1A180] =	vst v63  }
0x57: {  	_ =	swait.ge [sflag:s23], $0x40  }
0x58: {  	[sflag:s23] =	ssyncset.done $0x0  }
0x59: {  	[sflag:s23] =	ssyncadd.s32 $0xFFFFFFC0  }
0x5a: {  	[spmem:s2] =	stream.indirect.scatter [tilespmem:s24], [sflag:$0x1], $0x80, s25, s26, $0xb8;
	[tilespmem:$0x1A180] =	vst v63  }
0x5b: {  	_ =	swait.ge [sflag:s23], $0x2000  }
0x5c: {  	[sflag:s23] =	ssyncset.done $0x0  }
0x5d: {  	[sflag:s23] =	ssyncadd.s32 $0xFFFFE000  }
0x5e: {  	[tilespmem:s25], [sflag:$0x1] =	stream.linear.gather [hbm4b:s15+s29], $0x40, $0x38;
	[tilespmem:$0x1A180] =	vst v63  }
0x5f: {  	_ =	swait.ge [sflag:s23], $0x40  }
0x60: {  	[sflag:s23] =	ssyncset.done $0x0  }
0x61: {  	[sflag:s23] =	ssyncadd.s32 $0xFFFFFFC0  }
0x62: {  	[spmem:s2] =	stream.indirect.scatter [tilespmem:s24], [sflag:$0x1], $0x80, s25, s26, $0xb8;
	[tilespmem:$0x1A180] =	vst v63  }
0x63: {  	_ =	swait.ge [sflag:s23], $0x2000  }
0x64: {  	[sflag:s23] =	ssyncset.done $0x0  }
0x65: {  	[sflag:s23] =	ssyncadd.s32 $0xFFFFE000  }
0x66: {  	[tilespmem:s25], [sflag:$0x1] =	stream.linear.gather [hbm4b:s16+s29], $0x40, $0x38;
	[tilespmem:$0x1A180] =	vst v63  }
0x67: {  	_ =	swait.ge [sflag:s23], $0x40  }
0x68: {  	[sflag:s23] =	ssyncset.done $0x0  }
0x69: {  	[sflag:s23] =	ssyncadd.s32 $0xFFFFFFC0  }
0x6a: {  	[spmem:s2] =	stream.indirect.scatter [tilespmem:s24], [sflag:$0x1], $0x80, s25, s26, $0xb8;
	[tilespmem:$0x1A180] =	vst v63  }
0x6b: {  	_ =	swait.ge [sflag:s23], $0x2000  }
0x6c: {  	[sflag:s23] =	ssyncset.done $0x0  }
0x6d: {  	[sflag:s23] =	ssyncadd.s32 $0xFFFFE000  }
0x6e: {  	[tilespmem:s25], [sflag:$0x1] =	stream.linear.gather [hbm4b:s17+s29], $0x40, $0x38;
	[tilespmem:$0x1A180] =	vst v63  }
0x6f: {  	_ =	swait.ge [sflag:s23], $0x40  }
0x70: {  	[sflag:s23] =	ssyncset.done $0x0  }
0x71: {  	[sflag:s23] =	ssyncadd.s32 $0xFFFFFFC0  }
0x72: {  	[spmem:s2] =	stream.indirect.scatter [tilespmem:s24], [sflag:$0x1], $0x80, s25, s26, $0xb8;
	[tilespmem:$0x1A180] =	vst v63  }
0x73: {  	_ =	swait.ge [sflag:s23], $0x2000  }
0x74: {  	[sflag:s23] =	ssyncset.done $0x0  }
0x75: {  	[sflag:s23] =	ssyncadd.s32 $0xFFFFE000  }
0x76: {  	[tilespmem:s25], [sflag:$0x1] =	stream.linear.gather [hbm4b:s18+s29], $0x40, $0x38;
	[tilespmem:$0x1A180] =	vst v63  }
0x77: {  	_ =	swait.ge [sflag:s23], $0x40  }
0x78: {  	[sflag:s23] =	ssyncset.done $0x0  }
0x79: {  	[sflag:s23] =	ssyncadd.s32 $0xFFFFFFC0  }
0x7a: {  	[spmem:s2] =	stream.indirect.scatter [tilespmem:s24], [sflag:$0x1], $0x80, s25, s26, $0xb8;
	[tilespmem:$0x1A180] =	vst v63  }
0x7b: {  	_ =	swait.ge [sflag:s23], $0x2000  }
0x7c: {  	[sflag:s23] =	ssyncset.done $0x0  }
0x7d: {  	[sflag:s23] =	ssyncadd.s32 $0xFFFFE000  }
0x7e: {  	s0 =	simm.s32 $0x0;
	[bflag:$0x0] =	sbarrier.arrive $0xFFFF  }
0x7f: {  	[spmem:s2] =	stream.indirect.scatter.add.f32 [tilespmem:s22], [sflag:$0x1], $0x80, s0, s26, $0xb8;
	[tilespmem:$0x1A180] =	vst v63  }
0x80: {  	_ =	swait.ge [sflag:s23], $0x2000  }
0x81: {  	s29 =	simm.s32 $0x200;
	[sflag:s23] =	ssyncset.done $0x0  }
.LBB2_8:
0x82: {  	s0 =	sshra.s32 s29, $0x2;
	[sflag:s23] =	ssyncadd.s32 $0xFFFFE000;
	p1 =	sne.s32 s29, $0x9E00  }
0x83: {  	[spmem:s2] =	stream.indirect.scatter.add.f32 [tilespmem:s22], [sflag:$0x1], $0x80, s0, s26, $0xb8;
	[tilespmem:$0x1A180] =	vst v63  }
.Ltmp3:
0x84: {  	_ = 	snop;
	(pc) =	sbr.rel @p1 .LBB2_8-.Ltmp3, $4  }
0x85: {  	_ = 	snop  }
0x86: {  	s29 =	sadd.s32 $0x200, s29  }
0x87: {  	_ =	swait.ge [sflag:s23], $0x2000  }
0x88: {  	[sflag:s23] =	ssyncset.done $0x0  }
0x89: {  	[sflag:s23] =	ssyncadd.s32 $0xFFFFE000  }
0x8a: {  	s0 =	sadd.s32 $0x0, s20;
	[bflag:$0x0] =	sbarrier.arrive $0xFFFF  }
0x8b: {  	[tilespmem:s25], [sflag:$0x1] =	stream.linear.gather [hbm4b:s0+s3], $0x40, $0x38;
	[tilespmem:$0x1A180] =	vst v63  }
0x8c: {  	_ =	swait.ge [sflag:s23], $0x40  }
0x8d: {  	[sflag:s23] =	ssyncset.done $0x0  }
0x8e: {  	[sflag:s23] =	ssyncadd.s32 $0xFFFFFFC0  }
0x8f: {  	[tilespmem:s24], [sflag:$0x1] =	stream.indirect.gather [spmem:s2], $0x80, s25, s26, $0xb8;
	[tilespmem:$0x1A180] =	vst v63  }
0x90: {  	_ =	swait.ge [sflag:s23], $0x2000  }
0x91: {  	[sflag:s23] =	ssyncset.done $0x0  }
0x92: {  	[sflag:s23] =	ssyncadd.s32 $0xFFFFE000  }
0x93: {  	[hbm4b:s21+s3] =	stream.linear.scatter [tilespmem:s24], [sflag:$0x1], $0x2000, $0x38;
	[tilespmem:$0x1A180] =	vst v63  }
0x94: {  	s30 =	simm.s32 $0x8;
	_ =	swait.ge [sflag:s23], $0x2000  }
0x95: {  	s31 =	simm.s32 $0x10;
	s29 =	sadd.s32 $0x400, s21;
	[sflag:s23] =	ssyncset.done $0x0  }
.LBB2_10:
0x96: {  	s0 =	sadd.s32 s30, s20  }
0x97: {  	[sflag:s23] =	ssyncadd.s32 $0xFFFFE000;
	s30 =	smov.u32 s31;
	s1 =	sadd.s32 $0x8, s31  }
0x98: {  	[tilespmem:s25], [sflag:$0x1] =	stream.linear.gather [hbm4b:s0+s3], $0x40, $0x38;
	[tilespmem:$0x1A180] =	vst v63  }
0x99: {  	p1 =	sne.s32 s31, $0x48;
	_ =	swait.ge [sflag:s23], $0x40  }
0x9a: {  	[sflag:s23] =	ssyncset.done $0x0  }
0x9b: {  	[sflag:s23] =	ssyncadd.s32 $0xFFFFFFC0  }
0x9c: {  	[tilespmem:s24], [sflag:$0x1] =	stream.indirect.gather [spmem:s2], $0x80, s25, s26, $0xb8;
	[tilespmem:$0x1A180] =	vst v63  }
0x9d: {  	_ =	swait.ge [sflag:s23], $0x2000  }
.Ltmp4:
0x9e: {  	[sflag:s23] =	ssyncset.done $0x0;
	(pc) =	sbr.rel @p1 .LBB2_10-.Ltmp4, $4  }
0x9f: {  	[sflag:s23] =	ssyncadd.s32 $0xFFFFE000  }
0xa0: {  	[hbm4b:s29+s3] =	stream.linear.scatter [tilespmem:s24], [sflag:$0x1], $0x2000, $0x38;
	[tilespmem:$0x1A180] =	vst v63  }
0xa1: {  	_ =	swait.ge [sflag:s23], $0x2000  }
0xa2: {  	s31 =	smov.u32 s1;
	s29 =	sadd.s32 $0x400, s29;
	[sflag:s23] =	ssyncset.done $0x0  }
.Ltmp5:
0xa3: {  	_ = 	snop;
	(pc) =	sbr.rel .LBB2_11-.Ltmp5, $1  }
0xa4: {  	_ =	sdelay $0x3  }
.LBB2_2:
0xa5: {  	[tilespmem:s29], [sflag:$0x1] =	stream.linear.gather [hbm4b:s6+s29], $0x2800, $0x38;
	[tilespmem:$0x1A180] =	vst v63  }
0xa6: {  	_ =	swait.ge [sflag:s23], $0x2800  }
0xa7: {  	[sflag:s23] =	ssyncset.done $0x0  }
0xa8: {  	[sflag:s23] =	ssyncadd.s32 $0xFFFFD800  }
0xa9: {  	[tilespmem:s25], [sflag:$0x1] =	stream.linear.gather [hbm4b:s7+s29], $0x40, $0x38;
	[tilespmem:$0x1A180] =	vst v63  }
0xaa: {  	_ =	swait.ge [sflag:s23], $0x40  }
0xab: {  	[sflag:s23] =	ssyncset.done $0x0  }
0xac: {  	[sflag:s23] =	ssyncadd.s32 $0xFFFFFFC0  }
0xad: {  	[spmem:s2] =	stream.indirect.scatter [tilespmem:s24], [sflag:$0x1], $0x80, s25, s26, $0xb8;
	[tilespmem:$0x1A180] =	vst v63  }
0xae: {  	_ =	swait.ge [sflag:s23], $0x2000  }
0xaf: {  	[sflag:s23] =	ssyncset.done $0x0  }
0xb0: {  	[sflag:s23] =	ssyncadd.s32 $0xFFFFE000  }
0xb1: {  	[tilespmem:s25], [sflag:$0x1] =	stream.linear.gather [hbm4b:s10+s29], $0x40, $0x38;
	[tilespmem:$0x1A180] =	vst v63  }
0xb2: {  	_ =	swait.ge [sflag:s23], $0x40  }
0xb3: {  	[sflag:s23] =	ssyncset.done $0x0  }
0xb4: {  	[sflag:s23] =	ssyncadd.s32 $0xFFFFFFC0  }
0xb5: {  	[spmem:s2] =	stream.indirect.scatter [tilespmem:s24], [sflag:$0x1], $0x80, s25, s26, $0xb8;
	[tilespmem:$0x1A180] =	vst v63  }
0xb6: {  	_ =	swait.ge [sflag:s23], $0x2000  }
0xb7: {  	[sflag:s23] =	ssyncset.done $0x0  }
0xb8: {  	[sflag:s23] =	ssyncadd.s32 $0xFFFFE000  }
0xb9: {  	[tilespmem:s25], [sflag:$0x1] =	stream.linear.gather [hbm4b:s11+s29], $0x40, $0x38;
	[tilespmem:$0x1A180] =	vst v63  }
0xba: {  	_ =	swait.ge [sflag:s23], $0x40  }
0xbb: {  	[sflag:s23] =	ssyncset.done $0x0  }
0xbc: {  	[sflag:s23] =	ssyncadd.s32 $0xFFFFFFC0  }
0xbd: {  	[spmem:s2] =	stream.indirect.scatter [tilespmem:s24], [sflag:$0x1], $0x80, s25, s26, $0xb8;
	[tilespmem:$0x1A180] =	vst v63  }
0xbe: {  	_ =	swait.ge [sflag:s23], $0x2000  }
0xbf: {  	[sflag:s23] =	ssyncset.done $0x0  }
0xc0: {  	[sflag:s23] =	ssyncadd.s32 $0xFFFFE000  }
0xc1: {  	[tilespmem:s25], [sflag:$0x1] =	stream.linear.gather [hbm4b:s12+s29], $0x40, $0x38;
	[tilespmem:$0x1A180] =	vst v63  }
0xc2: {  	_ =	swait.ge [sflag:s23], $0x40  }
0xc3: {  	[sflag:s23] =	ssyncset.done $0x0  }
0xc4: {  	[sflag:s23] =	ssyncadd.s32 $0xFFFFFFC0  }
0xc5: {  	[spmem:s2] =	stream.indirect.scatter [tilespmem:s24], [sflag:$0x1], $0x80, s25, s26, $0xb8;
	[tilespmem:$0x1A180] =	vst v63  }
0xc6: {  	_ =	swait.ge [sflag:s23], $0x2000  }
0xc7: {  	[sflag:s23] =	ssyncset.done $0x0  }
0xc8: {  	[sflag:s23] =	ssyncadd.s32 $0xFFFFE000  }
0xc9: {  	[tilespmem:s25], [sflag:$0x1] =	stream.linear.gather [hbm4b:s13+s29], $0x40, $0x38;
	[tilespmem:$0x1A180] =	vst v63  }
0xca: {  	_ =	swait.ge [sflag:s23], $0x40  }
0xcb: {  	[sflag:s23] =	ssyncset.done $0x0  }
0xcc: {  	[sflag:s23] =	ssyncadd.s32 $0xFFFFFFC0  }
0xcd: {  	[spmem:s2] =	stream.indirect.scatter [tilespmem:s24], [sflag:$0x1], $0x80, s25, s26, $0xb8;
	[tilespmem:$0x1A180] =	vst v63  }
0xce: {  	_ =	swait.ge [sflag:s23], $0x2000  }
0xcf: {  	[sflag:s23] =	ssyncset.done $0x0  }
0xd0: {  	[sflag:s23] =	ssyncadd.s32 $0xFFFFE000  }
0xd1: {  	[tilespmem:s25], [sflag:$0x1] =	stream.linear.gather [hbm4b:s14+s29], $0x40, $0x38;
	[tilespmem:$0x1A180] =	vst v63  }
0xd2: {  	_ =	swait.ge [sflag:s23], $0x40  }
0xd3: {  	[sflag:s23] =	ssyncset.done $0x0  }
0xd4: {  	[sflag:s23] =	ssyncadd.s32 $0xFFFFFFC0  }
0xd5: {  	[spmem:s2] =	stream.indirect.scatter [tilespmem:s24], [sflag:$0x1], $0x80, s25, s26, $0xb8;
	[tilespmem:$0x1A180] =	vst v63  }
0xd6: {  	_ =	swait.ge [sflag:s23], $0x2000  }
0xd7: {  	[sflag:s23] =	ssyncset.done $0x0  }
0xd8: {  	[sflag:s23] =	ssyncadd.s32 $0xFFFFE000  }
0xd9: {  	[tilespmem:s25], [sflag:$0x1] =	stream.linear.gather [hbm4b:s15+s29], $0x40, $0x38;
	[tilespmem:$0x1A180] =	vst v63  }
0xda: {  	_ =	swait.ge [sflag:s23], $0x40  }
0xdb: {  	[sflag:s23] =	ssyncset.done $0x0  }
0xdc: {  	[sflag:s23] =	ssyncadd.s32 $0xFFFFFFC0  }
0xdd: {  	[spmem:s2] =	stream.indirect.scatter [tilespmem:s24], [sflag:$0x1], $0x80, s25, s26, $0xb8;
	[tilespmem:$0x1A180] =	vst v63  }
0xde: {  	_ =	swait.ge [sflag:s23], $0x2000  }
0xdf: {  	[sflag:s23] =	ssyncset.done $0x0  }
0xe0: {  	[sflag:s23] =	ssyncadd.s32 $0xFFFFE000  }
0xe1: {  	[tilespmem:s25], [sflag:$0x1] =	stream.linear.gather [hbm4b:s16+s29], $0x40, $0x38;
	[tilespmem:$0x1A180] =	vst v63  }
0xe2: {  	_ =	swait.ge [sflag:s23], $0x40  }
0xe3: {  	[sflag:s23] =	ssyncset.done $0x0  }
0xe4: {  	[sflag:s23] =	ssyncadd.s32 $0xFFFFFFC0  }
0xe5: {  	[spmem:s2] =	stream.indirect.scatter [tilespmem:s24], [sflag:$0x1], $0x80, s25, s26, $0xb8;
	[tilespmem:$0x1A180] =	vst v63  }
0xe6: {  	_ =	swait.ge [sflag:s23], $0x2000  }
0xe7: {  	[sflag:s23] =	ssyncset.done $0x0  }
0xe8: {  	[sflag:s23] =	ssyncadd.s32 $0xFFFFE000  }
0xe9: {  	[tilespmem:s25], [sflag:$0x1] =	stream.linear.gather [hbm4b:s17+s29], $0x40, $0x38;
	[tilespmem:$0x1A180] =	vst v63  }
0xea: {  	_ =	swait.ge [sflag:s23], $0x40  }
0xeb: {  	[sflag:s23] =	ssyncset.done $0x0  }
0xec: {  	[sflag:s23] =	ssyncadd.s32 $0xFFFFFFC0  }
0xed: {  	[spmem:s2] =	stream.indirect.scatter [tilespmem:s24], [sflag:$0x1], $0x80, s25, s26, $0xb8;
	[tilespmem:$0x1A180] =	vst v63  }
0xee: {  	_ =	swait.ge [sflag:s23], $0x2000  }
0xef: {  	[sflag:s23] =	ssyncset.done $0x0  }
0xf0: {  	[sflag:s23] =	ssyncadd.s32 $0xFFFFE000  }
0xf1: {  	[tilespmem:s25], [sflag:$0x1] =	stream.linear.gather [hbm4b:s18+s29], $0x40, $0x38;
	[tilespmem:$0x1A180] =	vst v63  }
0xf2: {  	_ =	swait.ge [sflag:s23], $0x40  }
0xf3: {  	[sflag:s23] =	ssyncset.done $0x0  }
0xf4: {  	[sflag:s23] =	ssyncadd.s32 $0xFFFFFFC0  }
0xf5: {  	[spmem:s2] =	stream.indirect.scatter [tilespmem:s24], [sflag:$0x1], $0x80, s25, s26, $0xb8;
	[tilespmem:$0x1A180] =	vst v63  }
0xf6: {  	_ =	swait.ge [sflag:s23], $0x2000  }
0xf7: {  	[sflag:s23] =	ssyncset.done $0x0  }
0xf8: {  	[sflag:s23] =	ssyncadd.s32 $0xFFFFE000  }
0xf9: {  	s29 =	simm.s32 $0x0;
	[bflag:$0x0] =	sbarrier.arrive $0xFFFF  }
0xfa: {  	[spmem:s2] =	stream.indirect.scatter.add.f32 [tilespmem:s22], [sflag:$0x1], $0x80, s29, s26, $0xb8;
	[tilespmem:$0x1A180] =	vst v63  }
0xfb: {  	_ =	swait.ge [sflag:s23], $0x2000  }
0xfc: {  	s29 =	simm.s32 $0x200;
	[sflag:s23] =	ssyncset.done $0x0  }
.LBB2_3:
0xfd: {  	s30 =	sshra.s32 s29, $0x2;
	[sflag:s23] =	ssyncadd.s32 $0xFFFFE000;
	p1 =	sne.s32 s29, $0x9E00  }
0xfe: {  	[spmem:s2] =	stream.indirect.scatter.add.f32 [tilespmem:s22], [sflag:$0x1], $0x80, s30, s26, $0xb8;
	[tilespmem:$0x1A180] =	vst v63  }
.Ltmp6:
0xff: {  	_ = 	snop;
	(pc) =	sbr.rel @p1 .LBB2_3-.Ltmp6, $4  }
0x100: {  	_ = 	snop  }
0x101: {  	s29 =	sadd.s32 $0x200, s29  }
0x102: {  	_ =	swait.ge [sflag:s23], $0x2000  }
0x103: {  	[sflag:s23] =	ssyncset.done $0x0  }
0x104: {  	[sflag:s23] =	ssyncadd.s32 $0xFFFFE000  }
0x105: {  	s29 =	sadd.s32 $0x0, s20;
	[bflag:$0x0] =	sbarrier.arrive $0xFFFF  }
0x106: {  	[tilespmem:s25], [sflag:$0x1] =	stream.linear.gather [hbm4b:s29+s3], $0x40, $0x38;
	[tilespmem:$0x1A180] =	vst v63  }
0x107: {  	_ =	swait.ge [sflag:s23], $0x40  }
0x108: {  	[sflag:s23] =	ssyncset.done $0x0  }
0x109: {  	[sflag:s23] =	ssyncadd.s32 $0xFFFFFFC0  }
0x10a: {  	[tilespmem:s24], [sflag:$0x1] =	stream.indirect.gather [spmem:s2], $0x80, s25, s26, $0xb8;
	[tilespmem:$0x1A180] =	vst v63  }
0x10b: {  	_ =	swait.ge [sflag:s23], $0x2000  }
0x10c: {  	[sflag:s23] =	ssyncset.done $0x0  }
0x10d: {  	[sflag:s23] =	ssyncadd.s32 $0xFFFFE000  }
0x10e: {  	[hbm4b:s19+s3] =	stream.linear.scatter [tilespmem:s24], [sflag:$0x1], $0x2000, $0x38;
	[tilespmem:$0x1A180] =	vst v63  }
0x10f: {  	s30 =	simm.s32 $0x8;
	_ =	swait.ge [sflag:s23], $0x2000  }
0x110: {  	s31 =	simm.s32 $0x10;
	s29 =	sadd.s32 $0x400, s19;
	[sflag:s23] =	ssyncset.done $0x0  }
.LBB2_5:
0x111: {  	s0 =	sadd.s32 s30, s20  }
0x112: {  	[sflag:s23] =	ssyncadd.s32 $0xFFFFE000;
	s30 =	smov.u32 s31;
	s1 =	sadd.s32 $0x8, s31  }
0x113: {  	[tilespmem:s25], [sflag:$0x1] =	stream.linear.gather [hbm4b:s0+s3], $0x40, $0x38;
	[tilespmem:$0x1A180] =	vst v63  }
0x114: {  	p1 =	seq.s32 s31, $0x48;
	_ =	swait.ge [sflag:s23], $0x40  }
0x115: {  	[sflag:s23] =	ssyncset.done $0x0  }
0x116: {  	[sflag:s23] =	ssyncadd.s32 $0xFFFFFFC0  }
0x117: {  	[tilespmem:s24], [sflag:$0x1] =	stream.indirect.gather [spmem:s2], $0x80, s25, s26, $0xb8;
	[tilespmem:$0x1A180] =	vst v63  }
0x118: {  	_ =	swait.ge [sflag:s23], $0x2000  }
.Ltmp7:
0x119: {  	[sflag:s23] =	ssyncset.done $0x0;
	(pc) =	sbr.rel @!p1 .LBB2_5-.Ltmp7, $4  }
0x11a: {  	[sflag:s23] =	ssyncadd.s32 $0xFFFFE000  }
0x11b: {  	[hbm4b:s29+s3] =	stream.linear.scatter [tilespmem:s24], [sflag:$0x1], $0x2000, $0x38;
	[tilespmem:$0x1A180] =	vst v63  }
0x11c: {  	_ =	swait.ge [sflag:s23], $0x2000  }
0x11d: {  	s31 =	smov.u32 s1;
	s29 =	sadd.s32 $0x400, s29;
	[sflag:s23] =	ssyncset.done $0x0  }
0x11e: {  	s0 =	sadd.s32 s30, s20;
	[sflag:s23] =	ssyncadd.s32 $0xFFFFE000  }
0x11f: {  	[tilespmem:s25], [sflag:$0x1] =	stream.linear.gather [hbm4b:s0+s3], $0x40, $0x38;
	[tilespmem:$0x1A180] =	vst v63  }
0x120: {  	_ =	swait.ge [sflag:s23], $0x40  }
0x121: {  	[sflag:s23] =	ssyncset.done $0x0  }
0x122: {  	[sflag:s23] =	ssyncadd.s32 $0xFFFFFFC0  }
0x123: {  	[tilespmem:s24], [sflag:$0x1] =	stream.indirect.gather [spmem:s2], $0x80, s25, s26, $0xb8;
	[tilespmem:$0x1A180] =	vst v63  }
0x124: {  	_ =	swait.ge [sflag:s23], $0x2000  }
0x125: {  	[sflag:s23] =	ssyncset.done $0x0  }
.Ltmp8:
0x126: {  	[sflag:s23] =	ssyncadd.s32 $0xFFFFE000;
	(pc) =	sbr.rel .LBB2_12-.Ltmp8, $4  }
0x127: {  	[hbm4b:s29+s3] =	stream.linear.scatter [tilespmem:s24], [sflag:$0x1], $0x2000, $0x38;
	[tilespmem:$0x1A180] =	vst v63  }
0x128: {  	_ =	swait.ge [sflag:s23], $0x2000  }
0x129: {  	[sflag:s23] =	ssyncset.done $0x0  }
0x12a: {  	[sflag:s23] =	ssyncadd.s32 $0xFFFFE000  }
.LBB2_13:
0x12b: {  	_ =	sfence.sel $0x180000  }
0x12c: {  	[bflag:$0x0] =	sbarrier.arrive $0xFFFF  }
0x12d: {  	_ =	strace $0x90000047  }
0x12e: {  	s0 =	stileid.u32;
	[bflag:$0x2] =	sbarrier.arrive $0xFFFF  }
0x12f: {  	p0 =	sne.s32 s0, $0x0;
	s0 =	rddreg [dreg:$0x2]  }
0x130: {  	s0 =	sadd.s32 @!p0 $0x100000, s0  }
0x131: {  	[sflag:s0] =	ssyncadd.tile.s32 @!p0 $0x1;
	_ =	shalt  }
.Lfunc_end2:
_tile_overlayer_lowered:
.L_overlay_start_2:
0x132: {  	(tag) =	ssettag $0x2  }
0x133: {  	s0 =	rddreg [dreg:$0x0];
	s2 =	stileid.u32  }
0x134: {  	s1 =	rddreg [dreg:$0x1];
	p0 =	sne.s32 s2, $0x0  }
0x135: {  	s3 =	rddreg [dreg:$0x2];
	[bflag:$0x3] =	sbarrier.arrive $0xFFFF;
	s2 =	simm.s32 @!p0 $0x1C01  }
0x136: {  	[timem:s3], [sflag:s2] =	dma.local @!p0 [hbm:s0], s1  }
0x137: {  	s0 =	simm.s32 @!p0 $0x1  }
0x138: {  	_ =	swait.ge @!p0 [sflag:s0], s1  }
0x139: {  	s1 =	ssub.s32 @!p0 $0x0, s1;
	[sflag:s0] =	ssyncset.done @!p0 $0x0  }
0x13a: {  	[sflag:s0] =	ssyncadd.s32 @!p0 s1  }
0x13b: {  	[bflag:$0x3] =	sbarrier.arrive $0xFFFF  }
0x13c: {  	_ =	shalt  }

</sc_bundles>
